<compile_context>
chip_gen: v7x
topology: tpu7x:2x2x1
jax: 0.10.2.dev20260603
libtpu: 0.0.44.dev20260713+nightly
codegen_flags: <defaults>
</compile_context>

<pallas_src>
import functools

import jax
import jax.numpy as jnp
from jax import lax
from jax.experimental import pallas as pl
from jax.experimental.pallas import tpu as pltpu
from jax.experimental.pallas import tpu_sc as plsc
from jax.experimental.layout import Layout, with_layout_constraint

_LANES = 16
_TILE_R = 128


def _flat_view(table):
  rows, dim = table.shape
  nblk = rows // _TILE_R
  z = table[:nblk * _TILE_R].reshape(nblk, _TILE_R, dim)
  z = with_layout_constraint(z, Layout((0, 2, 1), ((dim, _TILE_R),)))
  y = z.transpose(0, 2, 1)
  y = with_layout_constraint(y, Layout((0, 1, 2), ((dim, _TILE_R),)))
  return y.reshape(-1)


def _make_sc_kernel(batch, embed_dim, main_rows, tail_words, n_workers):
  bpw = batch // n_workers
  tile_w = embed_dim * _TILE_R
  half_tail = tail_words // 2

  @functools.partial(
      pl.kernel,
      mesh=plsc.VectorSubcoreMesh(core_axis_name="c", subcore_axis_name="s"),
      out_type=jax.ShapeDtypeStruct((batch,), jnp.float32),
      compiler_params=pltpu.CompilerParams(needs_layout_passes=False),
      scratch_types=[
          pltpu.VMEM((bpw,), jnp.int32),
          pltpu.VMEM((bpw,), jnp.int32),
          pltpu.VMEM((embed_dim * bpw,), jnp.int32),
          pltpu.VMEM((embed_dim * bpw,), jnp.int32),
          pltpu.VMEM((embed_dim * bpw,), jnp.float32),
          pltpu.VMEM((embed_dim * bpw,), jnp.float32),
          pltpu.VMEM((tail_words,), jnp.float32),
          pltpu.VMEM((bpw,), jnp.float32),
          pltpu.SemaphoreType.DMA,
          pltpu.SemaphoreType.DMA,
      ],
  )
  def sc_kernel(uidx_hbm, iidx_hbm, umain_hbm, imain_hbm, tails_hbm, out_hbm,
                uidx_v, iidx_v, uq_v, iq_v, ucols_v, icols_v,
                tail_v, out_v, sem_s, sem_m):
    num_cores = lax.axis_size("c")
    wid = lax.axis_index("s") * num_cores + lax.axis_index("c")
    base = wid * bpw

    cui = pltpu.async_copy(uidx_hbm.at[pl.ds(base, bpw)], uidx_v, sem_s)
    cii = pltpu.async_copy(iidx_hbm.at[pl.ds(base, bpw)], iidx_v, sem_s)
    ct = pltpu.async_copy(tails_hbm, tail_v, sem_s)
    cui.wait()
    cii.wait()

    def addr_body(c, _):
      off = c * _LANES
      for (idx_v, q_v) in ((uidx_v, uq_v), (iidx_v, iq_v)):
        r = idx_v[pl.ds(off, _LANES)]
        addr0 = jnp.where(r < main_rows,
                          (r >> 7) * tile_w + (r & (_TILE_R - 1)), 0)
        for d in range(embed_dim):
          q_v[pl.ds(d * bpw + off, _LANES)] = addr0 + d * _TILE_R
      return 0

    lax.fori_loop(0, bpw // _LANES, addr_body, 0, unroll=2)

    cu = pltpu.async_copy(umain_hbm.at[uq_v], ucols_v, sem_m)
    ci = pltpu.async_copy(imain_hbm.at[iq_v], icols_v, sem_m)
    ct.wait()
    cu.wait()
    ci.wait()

    def dot_body(c, _):
      off = c * _LANES
      ru = uidx_v[pl.ds(off, _LANES)]
      ri = iidx_v[pl.ds(off, _LANES)]
      u_main = ru < main_rows
      i_main = ri < main_rows
      ut0 = jnp.where(u_main, 0, (ru - main_rows) * embed_dim)
      it0 = jnp.where(i_main, half_tail,
                      (ri - main_rows) * embed_dim + half_tail)
      acc = None
      for d in range(embed_dim):
        uu = jnp.where(u_main,
                       ucols_v[pl.ds(d * bpw + off, _LANES)],
                       plsc.load_gather(tail_v, [ut0 + d]))
        ii = jnp.where(i_main,
                       icols_v[pl.ds(d * bpw + off, _LANES)],
                       plsc.load_gather(tail_v, [it0 + d]))
        prod = uu * ii
        acc = prod if acc is None else acc + prod
      out_v[pl.ds(off, _LANES)] = acc
      return 0

    lax.fori_loop(0, bpw // _LANES, dot_body, 0, unroll=2)

    pltpu.sync_copy(out_v, out_hbm.at[pl.ds(base, bpw)])

  return sc_kernel


def kernel(user_input, item_input, user_table, item_table):
  info = plsc.get_sparse_core_info()
  n_workers = info.num_cores * info.num_subcores
  batch = user_input.shape[0]
  rows, embed_dim = user_table.shape
  main_rows = (rows // _TILE_R) * _TILE_R
  tails = jnp.concatenate([user_table[main_rows:].reshape(-1),
                           item_table[main_rows:].reshape(-1)])
  sc = _make_sc_kernel(batch, embed_dim, main_rows, int(tails.shape[0]),
                       n_workers)
  return sc(user_input.astype(jnp.int32), item_input.astype(jnp.int32),
            _flat_view(user_table), _flat_view(item_table), tails)

# --- scband reference (transcript-rebuilt; emitter-appended) ---
"""Pipeline reference for scband-stub-trainable-model-16673063043425 (READ-ONLY COPY).

The authoritative reference and input builder live on the scoring server;
editing this copy changes nothing except your own understanding.
"""

import jax, jax.numpy as jnp
import numpy as np

NUM_USERS = 1000000
NUM_ITEMS = 1000000
EMBED_DIM = 4
BATCH = 16384

def setup_inputs(seed: int = 0) -> dict:
    key = jax.random.key(seed)
    k1, k2, k3, k4 = jax.random.split(key, 4)
    user_input = jax.random.randint(k1, (BATCH,), 0, NUM_USERS)
    item_input = jax.random.randint(k2, (BATCH,), 0, NUM_ITEMS)
    # Learned parameters sized per build_towers(num_users, num_items) with dim=4
    user_table = jax.random.normal(k3, (NUM_USERS, EMBED_DIM), dtype=jnp.float32)
    item_table = jax.random.normal(k4, (NUM_ITEMS, EMBED_DIM), dtype=jnp.float32)
    return {"user_input": user_input, "item_input": item_input, "user_table": user_table, "item_table": item_table}

def reference(user_input, item_input, user_table, item_table):
    # Faithful translation of StubTrainableModel.score_pairs:
    #   user_vectors = self.user_embeddings(user_input)
    #   item_vectors = self.item_embeddings(item_input)
    #   return (user_vectors * item_vectors).sum(dim=-1)
    user_vectors = jnp.take(user_table, user_input, axis=0)
    item_vectors = jnp.take(item_table, item_input, axis=0)
    return (user_vectors * item_vectors).sum(axis=-1)

if __name__ == "__main__":
    import jax
    _d = setup_inputs()
    print(jax.jit(kernel)(*tuple(_d.values())))

</pallas_src>

<mosaic_0001>
#map = affine_map<(d0, d1) -> (0)>
module attributes {stable_mosaic.version = 14 : i64} {
  func.func @sc_kernel(%arg0: i32, %arg1: i32, %arg2: memref<16384xi32, #tpu.memory_space<hbm>>, %arg3: memref<16384xi32, #tpu.memory_space<hbm>>, %arg4: memref<3999744xf32, #tpu.memory_space<hbm>>, %arg5: memref<3999744xf32, #tpu.memory_space<hbm>>, %arg6: memref<512xf32, #tpu.memory_space<hbm>>, %arg7: memref<16384xf32, #tpu.memory_space<hbm>>, %arg8: memref<512xi32, #tpu.memory_space<vmem>>, %arg9: memref<512xi32, #tpu.memory_space<vmem>>, %arg10: memref<2048xi32, #tpu.memory_space<vmem>>, %arg11: memref<2048xi32, #tpu.memory_space<vmem>>, %arg12: memref<2048xf32, #tpu.memory_space<vmem>>, %arg13: memref<2048xf32, #tpu.memory_space<vmem>>, %arg14: memref<512xf32, #tpu.memory_space<vmem>>, %arg15: memref<512xf32, #tpu.memory_space<vmem>>, %arg16: memref<!tpu.dma_semaphore, #tpu.memory_space<semaphore_mem>>, %arg17: memref<!tpu.dma_semaphore, #tpu.memory_space<semaphore_mem>>) attributes {dimension_semantics = [#tpu.dimension_semantics<core_parallel>, #tpu.dimension_semantics<subcore_parallel>], iteration_bounds = array<i64: 2, 16>, scalar_prefetch = 0 : i64, scratch_operands = 10 : i64, tpu.core_type = #tpu.core_type<sc_vector_subcore>, window_params = [{transform_indices = #map}, {transform_indices = #map}, {transform_indices = #map}, {transform_indices = #map}, {transform_indices = #map}, {transform_indices = #map}]} {
    %mul3A = arith.constant 2 : i32
    %mul3A_0 = arith.muli %arg1, %mul3A : i32
    %add3A = arith.addi %mul3A_0, %arg0 : i32
    %mul3A_1 = arith.constant 512 : i32
    %mul3A_2 = arith.muli %add3A, %mul3A_1 : i32
    %dma_start3A = tpu.memref_slice %arg2[%mul3A_2] : memref<16384xi32, #tpu.memory_space<hbm>> -> memref<512xi32, #tpu.memory_space<hbm>>
    %dma_start3A_3 = tpu.memref_slice %arg2[%mul3A_2] : memref<16384xi32, #tpu.memory_space<hbm>> -> memref<512xi32, #tpu.memory_space<hbm>>
    tpu.enqueue_dma source(%dma_start3A_3 : memref<512xi32, #tpu.memory_space<hbm>>) target(%arg8 : memref<512xi32, #tpu.memory_space<vmem>>) target_semaphore(%arg16 : memref<!tpu.dma_semaphore, #tpu.memory_space<semaphore_mem>>)
    %dma_start3A_4 = tpu.memref_slice %arg3[%mul3A_2] : memref<16384xi32, #tpu.memory_space<hbm>> -> memref<512xi32, #tpu.memory_space<hbm>>
    %dma_start3A_5 = tpu.memref_slice %arg3[%mul3A_2] : memref<16384xi32, #tpu.memory_space<hbm>> -> memref<512xi32, #tpu.memory_space<hbm>>
    tpu.enqueue_dma source(%dma_start3A_5 : memref<512xi32, #tpu.memory_space<hbm>>) target(%arg9 : memref<512xi32, #tpu.memory_space<vmem>>) target_semaphore(%arg16 : memref<!tpu.dma_semaphore, #tpu.memory_space<semaphore_mem>>)
    tpu.enqueue_dma source(%arg6 : memref<512xf32, #tpu.memory_space<hbm>>) target(%arg14 : memref<512xf32, #tpu.memory_space<vmem>>) target_semaphore(%arg16 : memref<!tpu.dma_semaphore, #tpu.memory_space<semaphore_mem>>)
    %dma_wait3A = tpu.memref_slice %arg2[%mul3A_2] : memref<16384xi32, #tpu.memory_space<hbm>> -> memref<512xi32, #tpu.memory_space<hbm>>
    %dma_wait3A_6 = tpu.memref_slice %arg2[%mul3A_2] : memref<16384xi32, #tpu.memory_space<hbm>> -> memref<512xi32, #tpu.memory_space<hbm>>
    tpu.wait_dma2 semaphore(%arg16 : memref<!tpu.dma_semaphore, #tpu.memory_space<semaphore_mem>>) src(%dma_wait3A_6 : memref<512xi32, #tpu.memory_space<hbm>>) dst(%arg8 : memref<512xi32, #tpu.memory_space<vmem>>)
    %dma_wait3A_7 = tpu.memref_slice %arg3[%mul3A_2] : memref<16384xi32, #tpu.memory_space<hbm>> -> memref<512xi32, #tpu.memory_space<hbm>>
    %dma_wait3A_8 = tpu.memref_slice %arg3[%mul3A_2] : memref<16384xi32, #tpu.memory_space<hbm>> -> memref<512xi32, #tpu.memory_space<hbm>>
    tpu.wait_dma2 semaphore(%arg16 : memref<!tpu.dma_semaphore, #tpu.memory_space<semaphore_mem>>) src(%dma_wait3A_8 : memref<512xi32, #tpu.memory_space<hbm>>) dst(%arg9 : memref<512xi32, #tpu.memory_space<vmem>>)
    %scan3A = arith.constant 0 : i32
    %scan3A_9 = arith.constant 0 : i32
    %scan3A_10 = arith.constant 32 : i32
    %scan3A_11 = arith.addi %scan3A_9, %scan3A_10 : i32
    %scan3A_12 = arith.constant 2 : i32
    %scan3A_13 = scf.for %scan3A_30 = %scan3A_9 to %scan3A_11 step %scan3A_12 iter_args(%scan3A_31 = %scan3A) -> (i32)  : i32 {
      %mul3A_32 = arith.constant 16 : i32
      %mul3A_33 = arith.muli %scan3A_30, %mul3A_32 : i32
      %get3A = arith.index_cast %mul3A_33 : i32 to index
      %get3A_34 = tpu.vector_load %arg8[%get3A] {strides = array<i32>} : memref<512xi32, #tpu.memory_space<vmem>>, vector<16xi32>,
      %lt3A = arith.constant 999936 : i32
      %lt3A_35 = vector.broadcast %lt3A : i32 to vector<16xi32>
      %lt3A_36 = arith.cmpi slt, %get3A_34, %lt3A_35 : vector<16xi32>
      %shift_right_arithmetic3A = arith.constant 7 : i32
      %shift_right_arithmetic3A_37 = vector.broadcast %shift_right_arithmetic3A : i32 to vector<16xi32>
      %shift_right_arithmetic3A_38 = arith.shrsi %get3A_34, %shift_right_arithmetic3A_37 : vector<16xi32>
      %mul3A_39 = arith.constant 512 : i32
      %mul3A_40 = vector.broadcast %mul3A_39 : i32 to vector<16xi32>
      %mul3A_41 = arith.muli %shift_right_arithmetic3A_38, %mul3A_40 : vector<16xi32>
      %and3A = arith.constant 127 : i32
      %and3A_42 = vector.broadcast %and3A : i32 to vector<16xi32>
      %and3A_43 = arith.andi %get3A_34, %and3A_42 : vector<16xi32>
      %add3A_44 = arith.addi %mul3A_41, %and3A_43 : vector<16xi32>
      %jit3A = arith.constant 0 : i32
      %broadcast_in_dim3A = vector.broadcast %jit3A : i32 to vector<16xi32>
      %select_n3A = arith.select %lt3A_36, %add3A_44, %broadcast_in_dim3A : vector<16xi1>, vector<16xi32>
      %add3A_45 = arith.constant 0 : i32
      %add3A_46 = vector.broadcast %add3A_45 : i32 to vector<16xi32>
      %add3A_47 = arith.addi %select_n3A, %add3A_46 : vector<16xi32>
      %add3A_48 = arith.constant 0 : i32
      %add3A_49 = arith.addi %add3A_48, %mul3A_33 : i32
      %swap3A = arith.index_cast %add3A_49 : i32 to index
      %swap3A_50 = tpu.vector_load %arg10[%swap3A] {strides = array<i32>} : memref<2048xi32, #tpu.memory_space<vmem>>, vector<16xi32>,
      tpu.vector_store %arg10[%swap3A], %add3A_47 {strides = array<i32>} : memref<2048xi32, #tpu.memory_space<vmem>>, vector<16xi32>,
      %add3A_51 = arith.constant 128 : i32
      %add3A_52 = vector.broadcast %add3A_51 : i32 to vector<16xi32>
      %add3A_53 = arith.addi %select_n3A, %add3A_52 : vector<16xi32>
      %add3A_54 = arith.constant 512 : i32
      %add3A_55 = arith.addi %add3A_54, %mul3A_33 : i32
      %swap3A_56 = arith.index_cast %add3A_55 : i32 to index
      %swap3A_57 = tpu.vector_load %arg10[%swap3A_56] {strides = array<i32>} : memref<2048xi32, #tpu.memory_space<vmem>>, vector<16xi32>,
      tpu.vector_store %arg10[%swap3A_56], %add3A_53 {strides = array<i32>} : memref<2048xi32, #tpu.memory_space<vmem>>, vector<16xi32>,
      %add3A_58 = arith.constant 256 : i32
      %add3A_59 = vector.broadcast %add3A_58 : i32 to vector<16xi32>
      %add3A_60 = arith.addi %select_n3A, %add3A_59 : vector<16xi32>
      %add3A_61 = arith.constant 1024 : i32
      %add3A_62 = arith.addi %add3A_61, %mul3A_33 : i32
      %swap3A_63 = arith.index_cast %add3A_62 : i32 to index
      %swap3A_64 = tpu.vector_load %arg10[%swap3A_63] {strides = array<i32>} : memref<2048xi32, #tpu.memory_space<vmem>>, vector<16xi32>,
      tpu.vector_store %arg10[%swap3A_63], %add3A_60 {strides = array<i32>} : memref<2048xi32, #tpu.memory_space<vmem>>, vector<16xi32>,
      %add3A_65 = arith.constant 384 : i32
      %add3A_66 = vector.broadcast %add3A_65 : i32 to vector<16xi32>
      %add3A_67 = arith.addi %select_n3A, %add3A_66 : vector<16xi32>
      %add3A_68 = arith.constant 1536 : i32
      %add3A_69 = arith.addi %add3A_68, %mul3A_33 : i32
      %swap3A_70 = arith.index_cast %add3A_69 : i32 to index
      %swap3A_71 = tpu.vector_load %arg10[%swap3A_70] {strides = array<i32>} : memref<2048xi32, #tpu.memory_space<vmem>>, vector<16xi32>,
      tpu.vector_store %arg10[%swap3A_70], %add3A_67 {strides = array<i32>} : memref<2048xi32, #tpu.memory_space<vmem>>, vector<16xi32>,
      %get3A_72 = arith.index_cast %mul3A_33 : i32 to index
      %get3A_73 = tpu.vector_load %arg9[%get3A_72] {strides = array<i32>} : memref<512xi32, #tpu.memory_space<vmem>>, vector<16xi32>,
      %lt3A_74 = arith.constant 999936 : i32
      %lt3A_75 = vector.broadcast %lt3A_74 : i32 to vector<16xi32>
      %lt3A_76 = arith.cmpi slt, %get3A_73, %lt3A_75 : vector<16xi32>
      %shift_right_arithmetic3A_77 = arith.constant 7 : i32
      %shift_right_arithmetic3A_78 = vector.broadcast %shift_right_arithmetic3A_77 : i32 to vector<16xi32>
      %shift_right_arithmetic3A_79 = arith.shrsi %get3A_73, %shift_right_arithmetic3A_78 : vector<16xi32>
      %mul3A_80 = arith.constant 512 : i32
      %mul3A_81 = vector.broadcast %mul3A_80 : i32 to vector<16xi32>
      %mul3A_82 = arith.muli %shift_right_arithmetic3A_79, %mul3A_81 : vector<16xi32>
      %and3A_83 = arith.constant 127 : i32
      %and3A_84 = vector.broadcast %and3A_83 : i32 to vector<16xi32>
      %and3A_85 = arith.andi %get3A_73, %and3A_84 : vector<16xi32>
      %add3A_86 = arith.addi %mul3A_82, %and3A_85 : vector<16xi32>
      %jit3A_87 = arith.constant 0 : i32
      %broadcast_in_dim3A_88 = vector.broadcast %jit3A_87 : i32 to vector<16xi32>
      %select_n3A_89 = arith.select %lt3A_76, %add3A_86, %broadcast_in_dim3A_88 : vector<16xi1>, vector<16xi32>
      %add3A_90 = arith.constant 0 : i32
      %add3A_91 = vector.broadcast %add3A_90 : i32 to vector<16xi32>
      %add3A_92 = arith.addi %select_n3A_89, %add3A_91 : vector<16xi32>
      %add3A_93 = arith.constant 0 : i32
      %add3A_94 = arith.addi %add3A_93, %mul3A_33 : i32
      %swap3A_95 = arith.index_cast %add3A_94 : i32 to index
      %swap3A_96 = tpu.vector_load %arg11[%swap3A_95] {strides = array<i32>} : memref<2048xi32, #tpu.memory_space<vmem>>, vector<16xi32>,
      tpu.vector_store %arg11[%swap3A_95], %add3A_92 {strides = array<i32>} : memref<2048xi32, #tpu.memory_space<vmem>>, vector<16xi32>,
      %add3A_97 = arith.constant 128 : i32
      %add3A_98 = vector.broadcast %add3A_97 : i32 to vector<16xi32>
      %add3A_99 = arith.addi %select_n3A_89, %add3A_98 : vector<16xi32>
      %add3A_100 = arith.constant 512 : i32
      %add3A_101 = arith.addi %add3A_100, %mul3A_33 : i32
      %swap3A_102 = arith.index_cast %add3A_101 : i32 to index
      %swap3A_103 = tpu.vector_load %arg11[%swap3A_102] {strides = array<i32>} : memref<2048xi32, #tpu.memory_space<vmem>>, vector<16xi32>,
      tpu.vector_store %arg11[%swap3A_102], %add3A_99 {strides = array<i32>} : memref<2048xi32, #tpu.memory_space<vmem>>, vector<16xi32>,
      %add3A_104 = arith.constant 256 : i32
      %add3A_105 = vector.broadcast %add3A_104 : i32 to vector<16xi32>
      %add3A_106 = arith.addi %select_n3A_89, %add3A_105 : vector<16xi32>
      %add3A_107 = arith.constant 1024 : i32
      %add3A_108 = arith.addi %add3A_107, %mul3A_33 : i32
      %swap3A_109 = arith.index_cast %add3A_108 : i32 to index
      %swap3A_110 = tpu.vector_load %arg11[%swap3A_109] {strides = array<i32>} : memref<2048xi32, #tpu.memory_space<vmem>>, vector<16xi32>,
      tpu.vector_store %arg11[%swap3A_109], %add3A_106 {strides = array<i32>} : memref<2048xi32, #tpu.memory_space<vmem>>, vector<16xi32>,
      %add3A_111 = arith.constant 384 : i32
      %add3A_112 = vector.broadcast %add3A_111 : i32 to vector<16xi32>
      %add3A_113 = arith.addi %select_n3A_89, %add3A_112 : vector<16xi32>
      %add3A_114 = arith.constant 1536 : i32
      %add3A_115 = arith.addi %add3A_114, %mul3A_33 : i32
      %swap3A_116 = arith.index_cast %add3A_115 : i32 to index
      %swap3A_117 = tpu.vector_load %arg11[%swap3A_116] {strides = array<i32>} : memref<2048xi32, #tpu.memory_space<vmem>>, vector<16xi32>,
      tpu.vector_store %arg11[%swap3A_116], %add3A_113 {strides = array<i32>} : memref<2048xi32, #tpu.memory_space<vmem>>, vector<16xi32>,
      %scan3A_118 = arith.constant 0 : i32
      %scan3A_119 = arith.constant 1 : i32
      %scan3A_120 = arith.addi %scan3A_30, %scan3A_119 : i32
      %mul3A_121 = arith.constant 16 : i32
      %mul3A_122 = arith.muli %scan3A_120, %mul3A_121 : i32
      %get3A_123 = arith.index_cast %mul3A_122 : i32 to index
      %get3A_124 = tpu.vector_load %arg8[%get3A_123] {strides = array<i32>} : memref<512xi32, #tpu.memory_space<vmem>>, vector<16xi32>,
      %lt3A_125 = arith.constant 999936 : i32
      %lt3A_126 = vector.broadcast %lt3A_125 : i32 to vector<16xi32>
      %lt3A_127 = arith.cmpi slt, %get3A_124, %lt3A_126 : vector<16xi32>
      %shift_right_arithmetic3A_128 = arith.constant 7 : i32
      %shift_right_arithmetic3A_129 = vector.broadcast %shift_right_arithmetic3A_128 : i32 to vector<16xi32>
      %shift_right_arithmetic3A_130 = arith.shrsi %get3A_124, %shift_right_arithmetic3A_129 : vector<16xi32>
      %mul3A_131 = arith.constant 512 : i32
      %mul3A_132 = vector.broadcast %mul3A_131 : i32 to vector<16xi32>
      %mul3A_133 = arith.muli %shift_right_arithmetic3A_130, %mul3A_132 : vector<16xi32>
      %and3A_134 = arith.constant 127 : i32
      %and3A_135 = vector.broadcast %and3A_134 : i32 to vector<16xi32>
      %and3A_136 = arith.andi %get3A_124, %and3A_135 : vector<16xi32>
      %add3A_137 = arith.addi %mul3A_133, %and3A_136 : vector<16xi32>
      %jit3A_138 = arith.constant 0 : i32
      %broadcast_in_dim3A_139 = vector.broadcast %jit3A_138 : i32 to vector<16xi32>
      %select_n3A_140 = arith.select %lt3A_127, %add3A_137, %broadcast_in_dim3A_139 : vector<16xi1>, vector<16xi32>
      %add3A_141 = arith.constant 0 : i32
      %add3A_142 = vector.broadcast %add3A_141 : i32 to vector<16xi32>
      %add3A_143 = arith.addi %select_n3A_140, %add3A_142 : vector<16xi32>
      %add3A_144 = arith.constant 0 : i32
      %add3A_145 = arith.addi %add3A_144, %mul3A_122 : i32
      %swap3A_146 = arith.index_cast %add3A_145 : i32 to index
      %swap3A_147 = tpu.vector_load %arg10[%swap3A_146] {strides = array<i32>} : memref<2048xi32, #tpu.memory_space<vmem>>, vector<16xi32>,
      tpu.vector_store %arg10[%swap3A_146], %add3A_143 {strides = array<i32>} : memref<2048xi32, #tpu.memory_space<vmem>>, vector<16xi32>,
      %add3A_148 = arith.constant 128 : i32
      %add3A_149 = vector.broadcast %add3A_148 : i32 to vector<16xi32>
      %add3A_150 = arith.addi %select_n3A_140, %add3A_149 : vector<16xi32>
      %add3A_151 = arith.constant 512 : i32
      %add3A_152 = arith.addi %add3A_151, %mul3A_122 : i32
      %swap3A_153 = arith.index_cast %add3A_152 : i32 to index
      %swap3A_154 = tpu.vector_load %arg10[%swap3A_153] {strides = array<i32>} : memref<2048xi32, #tpu.memory_space<vmem>>, vector<16xi32>,
      tpu.vector_store %arg10[%swap3A_153], %add3A_150 {strides = array<i32>} : memref<2048xi32, #tpu.memory_space<vmem>>, vector<16xi32>,
      %add3A_155 = arith.constant 256 : i32
      %add3A_156 = vector.broadcast %add3A_155 : i32 to vector<16xi32>
      %add3A_157 = arith.addi %select_n3A_140, %add3A_156 : vector<16xi32>
      %add3A_158 = arith.constant 1024 : i32
      %add3A_159 = arith.addi %add3A_158, %mul3A_122 : i32
      %swap3A_160 = arith.index_cast %add3A_159 : i32 to index
      %swap3A_161 = tpu.vector_load %arg10[%swap3A_160] {strides = array<i32>} : memref<2048xi32, #tpu.memory_space<vmem>>, vector<16xi32>,
      tpu.vector_store %arg10[%swap3A_160], %add3A_157 {strides = array<i32>} : memref<2048xi32, #tpu.memory_space<vmem>>, vector<16xi32>,
      %add3A_162 = arith.constant 384 : i32
      %add3A_163 = vector.broadcast %add3A_162 : i32 to vector<16xi32>
      %add3A_164 = arith.addi %select_n3A_140, %add3A_163 : vector<16xi32>
      %add3A_165 = arith.constant 1536 : i32
      %add3A_166 = arith.addi %add3A_165, %mul3A_122 : i32
      %swap3A_167 = arith.index_cast %add3A_166 : i32 to index
      %swap3A_168 = tpu.vector_load %arg10[%swap3A_167] {strides = array<i32>} : memref<2048xi32, #tpu.memory_space<vmem>>, vector<16xi32>,
      tpu.vector_store %arg10[%swap3A_167], %add3A_164 {strides = array<i32>} : memref<2048xi32, #tpu.memory_space<vmem>>, vector<16xi32>,
      %get3A_169 = arith.index_cast %mul3A_122 : i32 to index
      %get3A_170 = tpu.vector_load %arg9[%get3A_169] {strides = array<i32>} : memref<512xi32, #tpu.memory_space<vmem>>, vector<16xi32>,
      %lt3A_171 = arith.constant 999936 : i32
      %lt3A_172 = vector.broadcast %lt3A_171 : i32 to vector<16xi32>
      %lt3A_173 = arith.cmpi slt, %get3A_170, %lt3A_172 : vector<16xi32>
      %shift_right_arithmetic3A_174 = arith.constant 7 : i32
      %shift_right_arithmetic3A_175 = vector.broadcast %shift_right_arithmetic3A_174 : i32 to vector<16xi32>
      %shift_right_arithmetic3A_176 = arith.shrsi %get3A_170, %shift_right_arithmetic3A_175 : vector<16xi32>
      %mul3A_177 = arith.constant 512 : i32
      %mul3A_178 = vector.broadcast %mul3A_177 : i32 to vector<16xi32>
      %mul3A_179 = arith.muli %shift_right_arithmetic3A_176, %mul3A_178 : vector<16xi32>
      %and3A_180 = arith.constant 127 : i32
      %and3A_181 = vector.broadcast %and3A_180 : i32 to vector<16xi32>
      %and3A_182 = arith.andi %get3A_170, %and3A_181 : vector<16xi32>
      %add3A_183 = arith.addi %mul3A_179, %and3A_182 : vector<16xi32>
      %jit3A_184 = arith.constant 0 : i32
      %broadcast_in_dim3A_185 = vector.broadcast %jit3A_184 : i32 to vector<16xi32>
      %select_n3A_186 = arith.select %lt3A_173, %add3A_183, %broadcast_in_dim3A_185 : vector<16xi1>, vector<16xi32>
      %add3A_187 = arith.constant 0 : i32
      %add3A_188 = vector.broadcast %add3A_187 : i32 to vector<16xi32>
      %add3A_189 = arith.addi %select_n3A_186, %add3A_188 : vector<16xi32>
      %add3A_190 = arith.constant 0 : i32
      %add3A_191 = arith.addi %add3A_190, %mul3A_122 : i32
      %swap3A_192 = arith.index_cast %add3A_191 : i32 to index
      %swap3A_193 = tpu.vector_load %arg11[%swap3A_192] {strides = array<i32>} : memref<2048xi32, #tpu.memory_space<vmem>>, vector<16xi32>,
      tpu.vector_store %arg11[%swap3A_192], %add3A_189 {strides = array<i32>} : memref<2048xi32, #tpu.memory_space<vmem>>, vector<16xi32>,
      %add3A_194 = arith.constant 128 : i32
      %add3A_195 = vector.broadcast %add3A_194 : i32 to vector<16xi32>
      %add3A_196 = arith.addi %select_n3A_186, %add3A_195 : vector<16xi32>
      %add3A_197 = arith.constant 512 : i32
      %add3A_198 = arith.addi %add3A_197, %mul3A_122 : i32
      %swap3A_199 = arith.index_cast %add3A_198 : i32 to index
      %swap3A_200 = tpu.vector_load %arg11[%swap3A_199] {strides = array<i32>} : memref<2048xi32, #tpu.memory_space<vmem>>, vector<16xi32>,
      tpu.vector_store %arg11[%swap3A_199], %add3A_196 {strides = array<i32>} : memref<2048xi32, #tpu.memory_space<vmem>>, vector<16xi32>,
      %add3A_201 = arith.constant 256 : i32
      %add3A_202 = vector.broadcast %add3A_201 : i32 to vector<16xi32>
      %add3A_203 = arith.addi %select_n3A_186, %add3A_202 : vector<16xi32>
      %add3A_204 = arith.constant 1024 : i32
      %add3A_205 = arith.addi %add3A_204, %mul3A_122 : i32
      %swap3A_206 = arith.index_cast %add3A_205 : i32 to index
      %swap3A_207 = tpu.vector_load %arg11[%swap3A_206] {strides = array<i32>} : memref<2048xi32, #tpu.memory_space<vmem>>, vector<16xi32>,
      tpu.vector_store %arg11[%swap3A_206], %add3A_203 {strides = array<i32>} : memref<2048xi32, #tpu.memory_space<vmem>>, vector<16xi32>,
      %add3A_208 = arith.constant 384 : i32
      %add3A_209 = vector.broadcast %add3A_208 : i32 to vector<16xi32>
      %add3A_210 = arith.addi %select_n3A_186, %add3A_209 : vector<16xi32>
      %add3A_211 = arith.constant 1536 : i32
      %add3A_212 = arith.addi %add3A_211, %mul3A_122 : i32
      %swap3A_213 = arith.index_cast %add3A_212 : i32 to index
      %swap3A_214 = tpu.vector_load %arg11[%swap3A_213] {strides = array<i32>} : memref<2048xi32, #tpu.memory_space<vmem>>, vector<16xi32>,
      tpu.vector_store %arg11[%swap3A_213], %add3A_210 {strides = array<i32>} : memref<2048xi32, #tpu.memory_space<vmem>>, vector<16xi32>,
      %scan3A_215 = arith.constant 0 : i32
      scf.yield %scan3A_215 : i32
    }
    %scan3A_14 = arith.constant 32 : i32
    %dma_start3A_15 = arith.constant 0 : i32
    %dma_start3A_16 = tpu.memref_slice %arg4[%dma_start3A_15] : memref<3999744xf32, #tpu.memory_space<hbm>> -> memref<3999744xf32, #tpu.memory_space<hbm>>
    tpu.enqueue_indirect_dma source(%dma_start3A_16 : memref<3999744xf32, #tpu.memory_space<hbm>>) target(%arg12 : memref<2048xf32, #tpu.memory_space<vmem>>) offsets(%arg10 : memref<2048xi32, #tpu.memory_space<vmem>>) semaphore(%arg17 : memref<!tpu.dma_semaphore, #tpu.memory_space<semaphore_mem>>)
    %dma_start3A_17 = arith.constant 0 : i32
    %dma_start3A_18 = tpu.memref_slice %arg5[%dma_start3A_17] : memref<3999744xf32, #tpu.memory_space<hbm>> -> memref<3999744xf32, #tpu.memory_space<hbm>>
    tpu.enqueue_indirect_dma source(%dma_start3A_18 : memref<3999744xf32, #tpu.memory_space<hbm>>) target(%arg13 : memref<2048xf32, #tpu.memory_space<vmem>>) offsets(%arg11 : memref<2048xi32, #tpu.memory_space<vmem>>) semaphore(%arg17 : memref<!tpu.dma_semaphore, #tpu.memory_space<semaphore_mem>>)
    tpu.wait_dma2 semaphore(%arg16 : memref<!tpu.dma_semaphore, #tpu.memory_space<semaphore_mem>>) src(%arg6 : memref<512xf32, #tpu.memory_space<hbm>>) dst(%arg14 : memref<512xf32, #tpu.memory_space<vmem>>)
    %dma_wait3A_19 = arith.constant 0 : i32
    %dma_wait3A_20 = tpu.memref_slice %arg4[%dma_wait3A_19] : memref<3999744xf32, #tpu.memory_space<hbm>> -> memref<3999744xf32, #tpu.memory_space<hbm>>
    tpu.wait_indirect_dma semaphore(%arg17 : memref<!tpu.dma_semaphore, #tpu.memory_space<semaphore_mem>>) src(%dma_wait3A_20 : memref<3999744xf32, #tpu.memory_space<hbm>>) dst(%arg12 : memref<2048xf32, #tpu.memory_space<vmem>>)
    %dma_wait3A_21 = arith.constant 0 : i32
    %dma_wait3A_22 = tpu.memref_slice %arg5[%dma_wait3A_21] : memref<3999744xf32, #tpu.memory_space<hbm>> -> memref<3999744xf32, #tpu.memory_space<hbm>>
    tpu.wait_indirect_dma semaphore(%arg17 : memref<!tpu.dma_semaphore, #tpu.memory_space<semaphore_mem>>) src(%dma_wait3A_22 : memref<3999744xf32, #tpu.memory_space<hbm>>) dst(%arg13 : memref<2048xf32, #tpu.memory_space<vmem>>)
    %scan3A_23 = arith.constant 0 : i32
    %scan3A_24 = arith.constant 0 : i32
    %scan3A_25 = arith.constant 32 : i32
    %scan3A_26 = arith.addi %scan3A_24, %scan3A_25 : i32
    %scan3A_27 = arith.constant 2 : i32
    %scan3A_28 = scf.for %scan3A_30 = %scan3A_24 to %scan3A_26 step %scan3A_27 iter_args(%scan3A_31 = %scan3A_23) -> (i32)  : i32 {
      %mul3A_32 = arith.constant 16 : i32
      %mul3A_33 = arith.muli %scan3A_30, %mul3A_32 : i32
      %get3A = arith.index_cast %mul3A_33 : i32 to index
      %get3A_34 = tpu.vector_load %arg8[%get3A] {strides = array<i32>} : memref<512xi32, #tpu.memory_space<vmem>>, vector<16xi32>,
      %get3A_35 = arith.index_cast %mul3A_33 : i32 to index
      %get3A_36 = tpu.vector_load %arg9[%get3A_35] {strides = array<i32>} : memref<512xi32, #tpu.memory_space<vmem>>, vector<16xi32>,
      %lt3A = arith.constant 999936 : i32
      %lt3A_37 = vector.broadcast %lt3A : i32 to vector<16xi32>
      %lt3A_38 = arith.cmpi slt, %get3A_34, %lt3A_37 : vector<16xi32>
      %lt3A_39 = arith.constant 999936 : i32
      %lt3A_40 = vector.broadcast %lt3A_39 : i32 to vector<16xi32>
      %lt3A_41 = arith.cmpi slt, %get3A_36, %lt3A_40 : vector<16xi32>
      %sub3A = arith.constant 999936 : i32
      %sub3A_42 = vector.broadcast %sub3A : i32 to vector<16xi32>
      %sub3A_43 = arith.subi %get3A_34, %sub3A_42 : vector<16xi32>
      %mul3A_44 = arith.constant 4 : i32
      %mul3A_45 = vector.broadcast %mul3A_44 : i32 to vector<16xi32>
      %mul3A_46 = arith.muli %sub3A_43, %mul3A_45 : vector<16xi32>
      %jit3A = arith.constant 0 : i32
      %broadcast_in_dim3A = vector.broadcast %jit3A : i32 to vector<16xi32>
      %select_n3A = arith.select %lt3A_38, %broadcast_in_dim3A, %mul3A_46 : vector<16xi1>, vector<16xi32>
      %sub3A_47 = arith.constant 999936 : i32
      %sub3A_48 = vector.broadcast %sub3A_47 : i32 to vector<16xi32>
      %sub3A_49 = arith.subi %get3A_36, %sub3A_48 : vector<16xi32>
      %mul3A_50 = arith.constant 4 : i32
      %mul3A_51 = vector.broadcast %mul3A_50 : i32 to vector<16xi32>
      %mul3A_52 = arith.muli %sub3A_49, %mul3A_51 : vector<16xi32>
      %add3A_53 = arith.constant 256 : i32
      %add3A_54 = vector.broadcast %add3A_53 : i32 to vector<16xi32>
      %add3A_55 = arith.addi %mul3A_52, %add3A_54 : vector<16xi32>
      %jit3A_56 = arith.constant 256 : i32
      %broadcast_in_dim3A_57 = vector.broadcast %jit3A_56 : i32 to vector<16xi32>
      %select_n3A_58 = arith.select %lt3A_41, %broadcast_in_dim3A_57, %add3A_55 : vector<16xi1>, vector<16xi32>
      %add3A_59 = arith.constant 0 : i32
      %add3A_60 = arith.addi %add3A_59, %mul3A_33 : i32
      %get3A_61 = arith.index_cast %add3A_60 : i32 to index
      %get3A_62 = tpu.vector_load %arg12[%get3A_61] {strides = array<i32>} : memref<2048xf32, #tpu.memory_space<vmem>>, vector<16xf32>,
      %add3A_63 = arith.constant 0 : i32
      %add3A_64 = vector.broadcast %add3A_63 : i32 to vector<16xi32>
      %add3A_65 = arith.addi %select_n3A, %add3A_64 : vector<16xi32>
      %gather3A = tpu.vector_load_idx %arg14[%add3A_65] : memref<512xf32, #tpu.memory_space<vmem>>[vector<16xi32>], vector<16xf32>,
      %select_n3A_66 = arith.select %lt3A_38, %get3A_62, %gather3A : vector<16xi1>, vector<16xf32>
      %add3A_67 = arith.constant 0 : i32
      %add3A_68 = arith.addi %add3A_67, %mul3A_33 : i32
      %get3A_69 = arith.index_cast %add3A_68 : i32 to index
      %get3A_70 = tpu.vector_load %arg13[%get3A_69] {strides = array<i32>} : memref<2048xf32, #tpu.memory_space<vmem>>, vector<16xf32>,
      %add3A_71 = arith.constant 0 : i32
      %add3A_72 = vector.broadcast %add3A_71 : i32 to vector<16xi32>
      %add3A_73 = arith.addi %select_n3A_58, %add3A_72 : vector<16xi32>
      %gather3A_74 = tpu.vector_load_idx %arg14[%add3A_73] : memref<512xf32, #tpu.memory_space<vmem>>[vector<16xi32>], vector<16xf32>,
      %select_n3A_75 = arith.select %lt3A_41, %get3A_70, %gather3A_74 : vector<16xi1>, vector<16xf32>
      %mul3A_76 = arith.mulf %select_n3A_66, %select_n3A_75 : vector<16xf32>
      %add3A_77 = arith.constant 512 : i32
      %add3A_78 = arith.addi %add3A_77, %mul3A_33 : i32
      %get3A_79 = arith.index_cast %add3A_78 : i32 to index
      %get3A_80 = tpu.vector_load %arg12[%get3A_79] {strides = array<i32>} : memref<2048xf32, #tpu.memory_space<vmem>>, vector<16xf32>,
      %add3A_81 = arith.constant 1 : i32
      %add3A_82 = vector.broadcast %add3A_81 : i32 to vector<16xi32>
      %add3A_83 = arith.addi %select_n3A, %add3A_82 : vector<16xi32>
      %gather3A_84 = tpu.vector_load_idx %arg14[%add3A_83] : memref<512xf32, #tpu.memory_space<vmem>>[vector<16xi32>], vector<16xf32>,
      %select_n3A_85 = arith.select %lt3A_38, %get3A_80, %gather3A_84 : vector<16xi1>, vector<16xf32>
      %add3A_86 = arith.constant 512 : i32
      %add3A_87 = arith.addi %add3A_86, %mul3A_33 : i32
      %get3A_88 = arith.index_cast %add3A_87 : i32 to index
      %get3A_89 = tpu.vector_load %arg13[%get3A_88] {strides = array<i32>} : memref<2048xf32, #tpu.memory_space<vmem>>, vector<16xf32>,
      %add3A_90 = arith.constant 1 : i32
      %add3A_91 = vector.broadcast %add3A_90 : i32 to vector<16xi32>
      %add3A_92 = arith.addi %select_n3A_58, %add3A_91 : vector<16xi32>
      %gather3A_93 = tpu.vector_load_idx %arg14[%add3A_92] : memref<512xf32, #tpu.memory_space<vmem>>[vector<16xi32>], vector<16xf32>,
      %select_n3A_94 = arith.select %lt3A_41, %get3A_89, %gather3A_93 : vector<16xi1>, vector<16xf32>
      %mul3A_95 = arith.mulf %select_n3A_85, %select_n3A_94 : vector<16xf32>
      %add3A_96 = arith.addf %mul3A_76, %mul3A_95 : vector<16xf32>
      %add3A_97 = arith.constant 1024 : i32
      %add3A_98 = arith.addi %add3A_97, %mul3A_33 : i32
      %get3A_99 = arith.index_cast %add3A_98 : i32 to index
      %get3A_100 = tpu.vector_load %arg12[%get3A_99] {strides = array<i32>} : memref<2048xf32, #tpu.memory_space<vmem>>, vector<16xf32>,
      %add3A_101 = arith.constant 2 : i32
      %add3A_102 = vector.broadcast %add3A_101 : i32 to vector<16xi32>
      %add3A_103 = arith.addi %select_n3A, %add3A_102 : vector<16xi32>
      %gather3A_104 = tpu.vector_load_idx %arg14[%add3A_103] : memref<512xf32, #tpu.memory_space<vmem>>[vector<16xi32>], vector<16xf32>,
      %select_n3A_105 = arith.select %lt3A_38, %get3A_100, %gather3A_104 : vector<16xi1>, vector<16xf32>
      %add3A_106 = arith.constant 1024 : i32
      %add3A_107 = arith.addi %add3A_106, %mul3A_33 : i32
      %get3A_108 = arith.index_cast %add3A_107 : i32 to index
      %get3A_109 = tpu.vector_load %arg13[%get3A_108] {strides = array<i32>} : memref<2048xf32, #tpu.memory_space<vmem>>, vector<16xf32>,
      %add3A_110 = arith.constant 2 : i32
      %add3A_111 = vector.broadcast %add3A_110 : i32 to vector<16xi32>
      %add3A_112 = arith.addi %select_n3A_58, %add3A_111 : vector<16xi32>
      %gather3A_113 = tpu.vector_load_idx %arg14[%add3A_112] : memref<512xf32, #tpu.memory_space<vmem>>[vector<16xi32>], vector<16xf32>,
      %select_n3A_114 = arith.select %lt3A_41, %get3A_109, %gather3A_113 : vector<16xi1>, vector<16xf32>
      %mul3A_115 = arith.mulf %select_n3A_105, %select_n3A_114 : vector<16xf32>
      %add3A_116 = arith.addf %add3A_96, %mul3A_115 : vector<16xf32>
      %add3A_117 = arith.constant 1536 : i32
      %add3A_118 = arith.addi %add3A_117, %mul3A_33 : i32
      %get3A_119 = arith.index_cast %add3A_118 : i32 to index
      %get3A_120 = tpu.vector_load %arg12[%get3A_119] {strides = array<i32>} : memref<2048xf32, #tpu.memory_space<vmem>>, vector<16xf32>,
      %add3A_121 = arith.constant 3 : i32
      %add3A_122 = vector.broadcast %add3A_121 : i32 to vector<16xi32>
      %add3A_123 = arith.addi %select_n3A, %add3A_122 : vector<16xi32>
      %gather3A_124 = tpu.vector_load_idx %arg14[%add3A_123] : memref<512xf32, #tpu.memory_space<vmem>>[vector<16xi32>], vector<16xf32>,
      %select_n3A_125 = arith.select %lt3A_38, %get3A_120, %gather3A_124 : vector<16xi1>, vector<16xf32>
      %add3A_126 = arith.constant 1536 : i32
      %add3A_127 = arith.addi %add3A_126, %mul3A_33 : i32
      %get3A_128 = arith.index_cast %add3A_127 : i32 to index
      %get3A_129 = tpu.vector_load %arg13[%get3A_128] {strides = array<i32>} : memref<2048xf32, #tpu.memory_space<vmem>>, vector<16xf32>,
      %add3A_130 = arith.constant 3 : i32
      %add3A_131 = vector.broadcast %add3A_130 : i32 to vector<16xi32>
      %add3A_132 = arith.addi %select_n3A_58, %add3A_131 : vector<16xi32>
      %gather3A_133 = tpu.vector_load_idx %arg14[%add3A_132] : memref<512xf32, #tpu.memory_space<vmem>>[vector<16xi32>], vector<16xf32>,
      %select_n3A_134 = arith.select %lt3A_41, %get3A_129, %gather3A_133 : vector<16xi1>, vector<16xf32>
      %mul3A_135 = arith.mulf %select_n3A_125, %select_n3A_134 : vector<16xf32>
      %add3A_136 = arith.addf %add3A_116, %mul3A_135 : vector<16xf32>
      %swap3A = arith.index_cast %mul3A_33 : i32 to index
      %swap3A_137 = tpu.vector_load %arg15[%swap3A] {strides = array<i32>} : memref<512xf32, #tpu.memory_space<vmem>>, vector<16xf32>,
      tpu.vector_store %arg15[%swap3A], %add3A_136 {strides = array<i32>} : memref<512xf32, #tpu.memory_space<vmem>>, vector<16xf32>,
      %scan3A_138 = arith.constant 0 : i32
      %scan3A_139 = arith.constant 1 : i32
      %scan3A_140 = arith.addi %scan3A_30, %scan3A_139 : i32
      %mul3A_141 = arith.constant 16 : i32
      %mul3A_142 = arith.muli %scan3A_140, %mul3A_141 : i32
      %get3A_143 = arith.index_cast %mul3A_142 : i32 to index
      %get3A_144 = tpu.vector_load %arg8[%get3A_143] {strides = array<i32>} : memref<512xi32, #tpu.memory_space<vmem>>, vector<16xi32>,
      %get3A_145 = arith.index_cast %mul3A_142 : i32 to index
      %get3A_146 = tpu.vector_load %arg9[%get3A_145] {strides = array<i32>} : memref<512xi32, #tpu.memory_space<vmem>>, vector<16xi32>,
      %lt3A_147 = arith.constant 999936 : i32
      %lt3A_148 = vector.broadcast %lt3A_147 : i32 to vector<16xi32>
      %lt3A_149 = arith.cmpi slt, %get3A_144, %lt3A_148 : vector<16xi32>
      %lt3A_150 = arith.constant 999936 : i32
      %lt3A_151 = vector.broadcast %lt3A_150 : i32 to vector<16xi32>
      %lt3A_152 = arith.cmpi slt, %get3A_146, %lt3A_151 : vector<16xi32>
      %sub3A_153 = arith.constant 999936 : i32
      %sub3A_154 = vector.broadcast %sub3A_153 : i32 to vector<16xi32>
      %sub3A_155 = arith.subi %get3A_144, %sub3A_154 : vector<16xi32>
      %mul3A_156 = arith.constant 4 : i32
      %mul3A_157 = vector.broadcast %mul3A_156 : i32 to vector<16xi32>
      %mul3A_158 = arith.muli %sub3A_155, %mul3A_157 : vector<16xi32>
      %jit3A_159 = arith.constant 0 : i32
      %broadcast_in_dim3A_160 = vector.broadcast %jit3A_159 : i32 to vector<16xi32>
      %select_n3A_161 = arith.select %lt3A_149, %broadcast_in_dim3A_160, %mul3A_158 : vector<16xi1>, vector<16xi32>
      %sub3A_162 = arith.constant 999936 : i32
      %sub3A_163 = vector.broadcast %sub3A_162 : i32 to vector<16xi32>
      %sub3A_164 = arith.subi %get3A_146, %sub3A_163 : vector<16xi32>
      %mul3A_165 = arith.constant 4 : i32
      %mul3A_166 = vector.broadcast %mul3A_165 : i32 to vector<16xi32>
      %mul3A_167 = arith.muli %sub3A_164, %mul3A_166 : vector<16xi32>
      %add3A_168 = arith.constant 256 : i32
      %add3A_169 = vector.broadcast %add3A_168 : i32 to vector<16xi32>
      %add3A_170 = arith.addi %mul3A_167, %add3A_169 : vector<16xi32>
      %jit3A_171 = arith.constant 256 : i32
      %broadcast_in_dim3A_172 = vector.broadcast %jit3A_171 : i32 to vector<16xi32>
      %select_n3A_173 = arith.select %lt3A_152, %broadcast_in_dim3A_172, %add3A_170 : vector<16xi1>, vector<16xi32>
      %add3A_174 = arith.constant 0 : i32
      %add3A_175 = arith.addi %add3A_174, %mul3A_142 : i32
      %get3A_176 = arith.index_cast %add3A_175 : i32 to index
      %get3A_177 = tpu.vector_load %arg12[%get3A_176] {strides = array<i32>} : memref<2048xf32, #tpu.memory_space<vmem>>, vector<16xf32>,
      %add3A_178 = arith.constant 0 : i32
      %add3A_179 = vector.broadcast %add3A_178 : i32 to vector<16xi32>
      %add3A_180 = arith.addi %select_n3A_161, %add3A_179 : vector<16xi32>
      %gather3A_181 = tpu.vector_load_idx %arg14[%add3A_180] : memref<512xf32, #tpu.memory_space<vmem>>[vector<16xi32>], vector<16xf32>,
      %select_n3A_182 = arith.select %lt3A_149, %get3A_177, %gather3A_181 : vector<16xi1>, vector<16xf32>
      %add3A_183 = arith.constant 0 : i32
      %add3A_184 = arith.addi %add3A_183, %mul3A_142 : i32
      %get3A_185 = arith.index_cast %add3A_184 : i32 to index
      %get3A_186 = tpu.vector_load %arg13[%get3A_185] {strides = array<i32>} : memref<2048xf32, #tpu.memory_space<vmem>>, vector<16xf32>,
      %add3A_187 = arith.constant 0 : i32
      %add3A_188 = vector.broadcast %add3A_187 : i32 to vector<16xi32>
      %add3A_189 = arith.addi %select_n3A_173, %add3A_188 : vector<16xi32>
      %gather3A_190 = tpu.vector_load_idx %arg14[%add3A_189] : memref<512xf32, #tpu.memory_space<vmem>>[vector<16xi32>], vector<16xf32>,
      %select_n3A_191 = arith.select %lt3A_152, %get3A_186, %gather3A_190 : vector<16xi1>, vector<16xf32>
      %mul3A_192 = arith.mulf %select_n3A_182, %select_n3A_191 : vector<16xf32>
      %add3A_193 = arith.constant 512 : i32
      %add3A_194 = arith.addi %add3A_193, %mul3A_142 : i32
      %get3A_195 = arith.index_cast %add3A_194 : i32 to index
      %get3A_196 = tpu.vector_load %arg12[%get3A_195] {strides = array<i32>} : memref<2048xf32, #tpu.memory_space<vmem>>, vector<16xf32>,
      %add3A_197 = arith.constant 1 : i32
      %add3A_198 = vector.broadcast %add3A_197 : i32 to vector<16xi32>
      %add3A_199 = arith.addi %select_n3A_161, %add3A_198 : vector<16xi32>
      %gather3A_200 = tpu.vector_load_idx %arg14[%add3A_199] : memref<512xf32, #tpu.memory_space<vmem>>[vector<16xi32>], vector<16xf32>,
      %select_n3A_201 = arith.select %lt3A_149, %get3A_196, %gather3A_200 : vector<16xi1>, vector<16xf32>
      %add3A_202 = arith.constant 512 : i32
      %add3A_203 = arith.addi %add3A_202, %mul3A_142 : i32
      %get3A_204 = arith.index_cast %add3A_203 : i32 to index
      %get3A_205 = tpu.vector_load %arg13[%get3A_204] {strides = array<i32>} : memref<2048xf32, #tpu.memory_space<vmem>>, vector<16xf32>,
      %add3A_206 = arith.constant 1 : i32
      %add3A_207 = vector.broadcast %add3A_206 : i32 to vector<16xi32>
      %add3A_208 = arith.addi %select_n3A_173, %add3A_207 : vector<16xi32>
      %gather3A_209 = tpu.vector_load_idx %arg14[%add3A_208] : memref<512xf32, #tpu.memory_space<vmem>>[vector<16xi32>], vector<16xf32>,
      %select_n3A_210 = arith.select %lt3A_152, %get3A_205, %gather3A_209 : vector<16xi1>, vector<16xf32>
      %mul3A_211 = arith.mulf %select_n3A_201, %select_n3A_210 : vector<16xf32>
      %add3A_212 = arith.addf %mul3A_192, %mul3A_211 : vector<16xf32>
      %add3A_213 = arith.constant 1024 : i32
      %add3A_214 = arith.addi %add3A_213, %mul3A_142 : i32
      %get3A_215 = arith.index_cast %add3A_214 : i32 to index
      %get3A_216 = tpu.vector_load %arg12[%get3A_215] {strides = array<i32>} : memref<2048xf32, #tpu.memory_space<vmem>>, vector<16xf32>,
      %add3A_217 = arith.constant 2 : i32
      %add3A_218 = vector.broadcast %add3A_217 : i32 to vector<16xi32>
      %add3A_219 = arith.addi %select_n3A_161, %add3A_218 : vector<16xi32>
      %gather3A_220 = tpu.vector_load_idx %arg14[%add3A_219] : memref<512xf32, #tpu.memory_space<vmem>>[vector<16xi32>], vector<16xf32>,
      %select_n3A_221 = arith.select %lt3A_149, %get3A_216, %gather3A_220 : vector<16xi1>, vector<16xf32>
      %add3A_222 = arith.constant 1024 : i32
      %add3A_223 = arith.addi %add3A_222, %mul3A_142 : i32
      %get3A_224 = arith.index_cast %add3A_223 : i32 to index
      %get3A_225 = tpu.vector_load %arg13[%get3A_224] {strides = array<i32>} : memref<2048xf32, #tpu.memory_space<vmem>>, vector<16xf32>,
      %add3A_226 = arith.constant 2 : i32
      %add3A_227 = vector.broadcast %add3A_226 : i32 to vector<16xi32>
      %add3A_228 = arith.addi %select_n3A_173, %add3A_227 : vector<16xi32>
      %gather3A_229 = tpu.vector_load_idx %arg14[%add3A_228] : memref<512xf32, #tpu.memory_space<vmem>>[vector<16xi32>], vector<16xf32>,
      %select_n3A_230 = arith.select %lt3A_152, %get3A_225, %gather3A_229 : vector<16xi1>, vector<16xf32>
      %mul3A_231 = arith.mulf %select_n3A_221, %select_n3A_230 : vector<16xf32>
      %add3A_232 = arith.addf %add3A_212, %mul3A_231 : vector<16xf32>
      %add3A_233 = arith.constant 1536 : i32
      %add3A_234 = arith.addi %add3A_233, %mul3A_142 : i32
      %get3A_235 = arith.index_cast %add3A_234 : i32 to index
      %get3A_236 = tpu.vector_load %arg12[%get3A_235] {strides = array<i32>} : memref<2048xf32, #tpu.memory_space<vmem>>, vector<16xf32>,
      %add3A_237 = arith.constant 3 : i32
      %add3A_238 = vector.broadcast %add3A_237 : i32 to vector<16xi32>
      %add3A_239 = arith.addi %select_n3A_161, %add3A_238 : vector<16xi32>
      %gather3A_240 = tpu.vector_load_idx %arg14[%add3A_239] : memref<512xf32, #tpu.memory_space<vmem>>[vector<16xi32>], vector<16xf32>,
      %select_n3A_241 = arith.select %lt3A_149, %get3A_236, %gather3A_240 : vector<16xi1>, vector<16xf32>
      %add3A_242 = arith.constant 1536 : i32
      %add3A_243 = arith.addi %add3A_242, %mul3A_142 : i32
      %get3A_244 = arith.index_cast %add3A_243 : i32 to index
      %get3A_245 = tpu.vector_load %arg13[%get3A_244] {strides = array<i32>} : memref<2048xf32, #tpu.memory_space<vmem>>, vector<16xf32>,
      %add3A_246 = arith.constant 3 : i32
      %add3A_247 = vector.broadcast %add3A_246 : i32 to vector<16xi32>
      %add3A_248 = arith.addi %select_n3A_173, %add3A_247 : vector<16xi32>
      %gather3A_249 = tpu.vector_load_idx %arg14[%add3A_248] : memref<512xf32, #tpu.memory_space<vmem>>[vector<16xi32>], vector<16xf32>,
      %select_n3A_250 = arith.select %lt3A_152, %get3A_245, %gather3A_249 : vector<16xi1>, vector<16xf32>
      %mul3A_251 = arith.mulf %select_n3A_241, %select_n3A_250 : vector<16xf32>
      %add3A_252 = arith.addf %add3A_232, %mul3A_251 : vector<16xf32>
      %swap3A_253 = arith.index_cast %mul3A_142 : i32 to index
      %swap3A_254 = tpu.vector_load %arg15[%swap3A_253] {strides = array<i32>} : memref<512xf32, #tpu.memory_space<vmem>>, vector<16xf32>,
      tpu.vector_store %arg15[%swap3A_253], %add3A_252 {strides = array<i32>} : memref<512xf32, #tpu.memory_space<vmem>>, vector<16xf32>,
      %scan3A_255 = arith.constant 0 : i32
      scf.yield %scan3A_255 : i32
    }
    %scan3A_29 = arith.constant 32 : i32
    "tpu.region"() ({
      %run_scoped3A = tpu.sem_alloc : memref<!tpu.dma_semaphore, #tpu.memory_space<semaphore_mem>>
      %dma_start3A_30 = tpu.memref_slice %arg7[%mul3A_2] : memref<16384xf32, #tpu.memory_space<hbm>> -> memref<512xf32, #tpu.memory_space<hbm>>
      %dma_start3A_31 = tpu.memref_slice %arg7[%mul3A_2] : memref<16384xf32, #tpu.memory_space<hbm>> -> memref<512xf32, #tpu.memory_space<hbm>>
      tpu.enqueue_dma source(%arg15 : memref<512xf32, #tpu.memory_space<vmem>>) target(%dma_start3A_31 : memref<512xf32, #tpu.memory_space<hbm>>) target_semaphore(%run_scoped3A : memref<!tpu.dma_semaphore, #tpu.memory_space<semaphore_mem>>)
      %dma_wait3A_32 = tpu.memref_slice %arg7[%mul3A_2] : memref<16384xf32, #tpu.memory_space<hbm>> -> memref<512xf32, #tpu.memory_space<hbm>>
      %dma_wait3A_33 = tpu.memref_slice %arg7[%mul3A_2] : memref<16384xf32, #tpu.memory_space<hbm>> -> memref<512xf32, #tpu.memory_space<hbm>>
      tpu.wait_dma2 semaphore(%run_scoped3A : memref<!tpu.dma_semaphore, #tpu.memory_space<semaphore_mem>>) src(%arg15 : memref<512xf32, #tpu.memory_space<vmem>>) dst(%dma_wait3A_33 : memref<512xf32, #tpu.memory_space<hbm>>)
      tpu.yield
    }) : () -> ()
    return
  }
}

</mosaic_0001>

<sc_bundles>
// kernel: kernel.3.cloned.1.call-start
scs
__scs_entry_jumppad:
0x0: {  	(pc) =	sbr.rel $0x88, $3  }
0x1: {  	(tag) =	ssettag $0x0;
	lr =	simm.s32 $0x1  }
0x2: {  	[smem:$0x3F9D] =	sst lr;
	_ =	strace $0xD0000000  }
0x3: {  	_ = 	snop  }
0x4: {  	_ = 	snop  }
0x5: {  	_ = 	snop  }
0x6: {  	_ = 	snop  }
0x7: {  	_ = 	snop  }
__scs_overlays_trampoline_lowered:
0x8: {  	[smem:$0x3FAC] =	sst s0  }
0x9: {  	[smem:$0x3FAD] =	sst s1  }
0xa: {  	[smem:$0x3FAE] =	sst s2  }
0xb: {  	[smem:$0x3FAF] =	sst s3  }
0xc: {  	[smem:$0x3FB0] =	sst s4  }
0xd: {  	[smem:$0x3FB1] =	sst s5  }
0xe: {  	[smem:$0x3FB2] =	sst s6  }
0xf: {  	[smem:$0x3FB3] =	sst s7  }
0x10: {  	[smem:$0x3FB4] =	sst s8  }
0x11: {  	[smem:$0x3FB5] =	sst s9;
	s0 =	simm.s32 @!p0 $0x0  }
0x12: {  	s1 =	sld [smem:$0x3F9B];
	s0 =	simm.s32 @p0 $0x1  }
0x13: {  	[smem:$0x3FB6] =	sst s0;
	s0 =	simm.s32 @!p1 $0x0  }
0x14: {  	s2 =	sld [smem:$0x3F9A];
	s0 =	simm.s32 @p1 $0x1  }
0x15: {  	[smem:$0x3FB7] =	sst s0;
	s0 =	simm.s32 @!p2 $0x0  }
0x16: {  	s3 =	sld [smem:$0x3FDB];
	s0 =	simm.s32 @p2 $0x1  }
0x17: {  	s4 =	simm.s32 $0x1BF5;
	[smem:$0x3FB9] =	sst s0  }
0x18: {  	s0 =	sld [smem:$0x3F9C];
	_ =	swait.ge [sflag:s4], $0x0  }
0x19: {  	s7 =	sld [smem:$0x3F9D]  }
0x1a: {  	s8 =	sadd.s32 $0xFFFFE003, lr  }
0x1b: {  	s9 =	sadd.s32 $0xFFFFFEF7, lr;
	s5 =	simm.s32 $0xFFFFFFFF;
	p2 =	slt.u32 s8, $0xFFFFF086  }
0x1c: {  	p1 =	slt.u32 s9, $0xF7A;
	s5 =	simm.s32 @!p2 $0x0  }
0x1d: {  	s5 =	simm.s32 @p1 $0x1;
	p0 =	seq.s32 s7, s2  }
0x1e: {  	s7 =	smul.u32 @!p0 $0xF7A, s2;
	p2 =	seq.s32 @!p0 s5, $0x0  }
0x1f: {  	s9 =	smul.u32 $0xF7A, s1;
	s8 =	simm.s32 @!p0 $0x1BF5;
	p2 =	por !p2, p0  }
0x20: {  	[sflag:s8] =	ssyncset.s32 @!p0 $0xFFFFF086;
	s6 =	sadd.s32 @!p0 s3, s7;
	s7 =	simm.s32 @!p0 $0x108  }
0x21: {  	s3 =	sadd.s32 s3, s9;
	s6 =	sadd.s32 @!p0 $0x88, s6;
	s7 =	simm.s32 @p2 $0x1082  }
0x22: {  	[simem:s7], [sflag:s8] =	dma.local @!p0 [hbm:s6], $0xF7A  }
0x23: {  	s9 =	sor.u32 $0xD0000000, s2;
	s6 =	simm.s32 $0x108;
	_ =	swait.ge @!p0 [sflag:s8], $0x0  }
0x24: {  	s3 =	sadd.s32 $0x88, s3;
	s6 =	simm.s32 @!p1 $0x1082;
	[sflag:s4] =	ssyncset.s32 $0xFFFFF086  }
0x25: {  	[simem:s6], [sflag:s4] =	dma.local [hbm:s3], $0xF7A  }
0x26: {  	[smem:$0x3F9D] =	sst s1;
	(tag) =	ssettag s2;
	_ =	strace s9  }
0x27: {  	s1 =	sld [smem:$0x3FAD]  }
0x28: {  	s2 =	sld [smem:$0x3FAE]  }
0x29: {  	s4 =	sld [smem:$0x3FB0]  }
0x2a: {  	p0 =	seq.s32 s5, $0x0;
	s5 =	sld [smem:$0x3FB1]  }
0x2b: {  	s6 =	sld [smem:$0x3FB2]  }
0x2c: {  	s7 =	sld [smem:$0x3FB3]  }
0x2d: {  	s3 =	simm.s32 $0x108;
	s8 =	sld [smem:$0x3FB4]  }
0x2e: {  	s3 =	simm.s32 @!p0 $0x1082;
	s9 =	sld [smem:$0x3FB5]  }
0x2f: {  	lr =	sadd.s32 s0, s3;
	s0 =	sld [smem:$0x3FAC]  }
0x30: {  	s3 =	sld [smem:$0x3FAF]  }
0x31: {  	[smem:$0x3FB8] =	sst s10  }
0x32: {  	s10 =	sld [smem:$0x3FB6];
	_ =	sdelay $0x3  }
0x33: {  	p0 =	seq.s32 s10, $0x1;
	s10 =	sld [smem:$0x3FB8];
	_ =	sdelay $0x3  }
0x34: {  	[smem:$0x3FB8] =	sst s10  }
0x35: {  	s10 =	sld [smem:$0x3FB7];
	_ =	sdelay $0x3  }
0x36: {  	p1 =	seq.s32 s10, $0x1;
	s10 =	sld [smem:$0x3FB8];
	_ =	sdelay $0x3  }
0x37: {  	[smem:$0x3FB8] =	sst s10  }
0x38: {  	s10 =	sld [smem:$0x3FB9]  }
0x39: {  	_ = 	snop;
	(pc) =	sbr.ind lr, $3  }
0x3a: {  	_ = 	snop  }
0x3b: {  	_ = 	snop  }
0x3c: {  	p2 =	seq.s32 s10, $0x1;
	s10 =	sld [smem:$0x3FB8]  }
0x3d: {  	_ =	shalt  }
0x3e: {  	_ =	shalt  }
0x3f: {  	_ =	shalt  }
0x40: {  	_ =	shalt  }
0x41: {  	_ =	shalt  }
0x42: {  	_ =	shalt  }
0x43: {  	_ =	shalt  }
0x44: {  	_ =	shalt  }
0x45: {  	_ =	shalt  }
0x46: {  	_ =	shalt  }
0x47: {  	_ =	shalt  }
0x48: {  	_ =	shalt  }
0x49: {  	_ =	shalt  }
0x4a: {  	_ =	shalt  }
0x4b: {  	_ =	shalt  }
0x4c: {  	_ =	shalt  }
0x4d: {  	_ =	shalt  }
0x4e: {  	_ =	shalt  }
0x4f: {  	_ =	shalt  }
0x50: {  	_ =	shalt  }
0x51: {  	_ =	shalt  }
0x52: {  	_ =	shalt  }
0x53: {  	_ =	shalt  }
0x54: {  	_ =	shalt  }
0x55: {  	_ =	shalt  }
0x56: {  	_ =	shalt  }
0x57: {  	_ =	shalt  }
0x58: {  	_ =	shalt  }
0x59: {  	_ =	shalt  }
0x5a: {  	_ =	shalt  }
0x5b: {  	_ =	shalt  }
0x5c: {  	_ =	shalt  }
0x5d: {  	_ =	shalt  }
0x5e: {  	_ =	shalt  }
0x5f: {  	_ =	shalt  }
0x60: {  	_ =	shalt  }
0x61: {  	_ =	shalt  }
0x62: {  	_ =	shalt  }
0x63: {  	_ =	shalt  }
0x64: {  	_ =	shalt  }
0x65: {  	_ =	shalt  }
0x66: {  	_ =	shalt  }
0x67: {  	_ =	shalt  }
0x68: {  	_ =	shalt  }
0x69: {  	_ =	shalt  }
0x6a: {  	_ =	shalt  }
0x6b: {  	_ =	shalt  }
0x6c: {  	_ =	shalt  }
0x6d: {  	_ =	shalt  }
0x6e: {  	_ =	shalt  }
0x6f: {  	_ =	shalt  }
0x70: {  	_ =	shalt  }
0x71: {  	_ =	shalt  }
0x72: {  	_ =	shalt  }
0x73: {  	_ =	shalt  }
0x74: {  	_ =	shalt  }
0x75: {  	_ =	shalt  }
0x76: {  	_ =	shalt  }
0x77: {  	_ =	shalt  }
0x78: {  	_ =	shalt  }
0x79: {  	_ =	shalt  }
0x7a: {  	_ =	shalt  }
0x7b: {  	_ =	shalt  }
0x7c: {  	_ =	shalt  }
0x7d: {  	_ =	shalt  }
0x7e: {  	_ =	shalt  }
0x7f: {  	_ =	shalt  }
0x80: {  	_ =	shalt  }
0x81: {  	_ =	shalt  }
0x82: {  	_ =	shalt  }
0x83: {  	_ =	shalt  }
0x84: {  	_ =	shalt  }
0x85: {  	_ =	shalt  }
0x86: {  	_ =	shalt  }
0x87: {  	_ =	shalt  }
.Lfunc_end0:
.L_simem_size_0:
called_computation_lowered:
.L_overlay_start_0:
0x88: {  	s2 =	sld [smem:$0x3FD9]  }
0x89: {  	s3 =	sld [smem:$0x3FFE];
	_ =	sdelay $0x1  }
0x8a: {  	s1 =	srdreg.scid  }
0x8b: {  	s0 =	sand.u32 $0x1, s1  }
0x8c: {  	s17 =	sshll.u32 s0, $0xA;
	s2 =	sadd.s32 s3, s2  }
0x8d: {  	s2 =	sadd.s32 s2, s17  }
0x8e: {  	[smem:$0x3FC4] =	sst s2  }
0x8f: {  	_ = 	snop  }
0x90: {  	s2 =	sld [smem:$0x3FC9]  }
0x91: {  	s18 =	sld [smem:$0x3FC8]  }
0x92: {  	s4 =	sld [smem:$0x3FD0];
	(tm) =	ssettm $0x1  }
0x93: {  	s5 =	sld [smem:$0x3FFB];
	_ =	sdelay $0x3  }
0x94: {  	_ =	strace s5  }
0x95: {  	s5 =	sld [smem:$0x3FFC];
	_ =	sdelay $0x3  }
0x96: {  	_ =	strace s5  }
0x97: {  	s5 =	sld [smem:$0x3FFD];
	_ =	sdelay $0x3  }
0x98: {  	_ =	strace s5  }
0x99: {  	_ =	strace $0x8FFFFFFF  }
0x9a: {  	s19 =	sld [smem:$0x3FDB];
	_ =	sdelay $0x1  }
0x9b: {  	s6 =	simm.s32 $_scs_section_size  }
0x9c: {  	s7 =	simm.s32 $_size__tile_overlayer_lowered;
	s8 =	simm.s32 $_tile_overlayer_lowered  }
0x9d: {  	s22 =	simm.s32 $0x1BFF;
	s21 =	sshll.u32 s8, $0x1;
	s5 =	sadd.s32 s6, s19  }
0x9e: {  	s9 =	simm.s32 $0x0;
	s20 =	sshll.u32 s7, $0x1;
	s7 =	sadd.s32 s21, s5  }
0x9f: {  	[timem:s9], [sflag:s22] =	dma.local [hbm:s7], s20  }
0xa0: {  	_ =	swait.ge [sflag:s22], s20  }
0xa1: {  	s6 =	ssub.s32 $0x0, s20;
	[sflag:s22] =	ssyncset.done $0x0  }
0xa2: {  	[sflag:s22] =	ssyncadd.s32 s6;
	_ =	sdelay $0x1  }
0xa3: {  	s23 =	simm.s32 $0x1B8B  }
0xa4: {  	_ =	swait.ge [sflag:s23], $0x1  }
0xa5: {  	[sflag:s23] =	ssyncset.done $0x0  }
0xa6: {  	s25 =	simm.s32 $0x1B8E;
	s24 =	sld [smem:$0x3FFE];
	[sflag:s23] =	ssyncadd.s32 $0xFFFFFFFF  }
0xa7: {  	s26 =	simm.s32 $execute0_lowered;
	[smem:$0x3FD2] =	sst s25  }
0xa8: {  	s7 =	sshll.u32 s26, $0x1;
	_ =	strace $0x80000046;
	[dreg:$0x1] =	wrdreg $0xFFFFFFFF  }
0xa9: {  	s28 =	simm.s32 $_size_execute0_lowered;
	s5 =	sadd.s32 s5, s7;
	[dreg:$0x0] =	wrdreg $0x0  }
0xaa: {  	s7 =	sshll.u32 s28, $0x1;
	[dreg:$0x2] =	wrdreg s5  }
0xab: {  	[dreg:$0x3] =	wrdreg s7  }
0xac: {  	[dreg:$0x4] =	wrdreg $0xC0  }
0xad: {  	_ =	task [dreg:s9], $0x5FFFF  }
0xae: {  	[dreg:$0x1] =	wrdreg $0xFFFFFFFF  }
0xaf: {  	[dreg:$0x0] =	wrdreg $0x60  }
0xb0: {  	[dreg:$0x2] =	wrdreg s2  }
0xb1: {  	[dreg:$0x3] =	wrdreg s18  }
0xb2: {  	[dreg:$0x4] =	wrdreg s24  }
0xb3: {  	[dreg:$0x5] =	wrdreg s4  }
0xb4: {  	[dreg:$0x6] =	wrdreg $0x9  }
0xb5: {  	_ =	task.clear_ibuf [dreg:s9], $0x7FFFF;
	_ =	strace $0x90000046  }
0xb6: {  	s29 =	simm.s32 $0x9;
	_ =	strace $0x80000048  }
0xb7: {  	_ =	swait.ge [sflag:s29], $0x1  }
0xb8: {  	[sflag:s29] =	ssyncadd.s32 $0xFFFFFFFF  }
0xb9: {  	_ =	strace $0x90000048  }
0xba: {  	_ =	sfence  }
0xbb: {  	s30 =	sld [smem:$0x0];
	_ =	sdelay $0x2  }
0xbc: {  	s31 =	sshll.u32 s1, $0xD;
	s1 =	sshrl.u32 s1, $0x2  }
0xbd: {  	s3 =	sand.u32 $0x4000, s31;
	s1 =	sadd.s32 s1, s30  }
0xbe: {  	s0 =	sor.u32 s3, s0;
	s1 =	sshll.u32 s1, $0x11  }
0xbf: {  	s0 =	sor.u32 s1, s0  }
0xc0: {  	s0 =	sadd.s32 $0x8F2B, s0  }
0xc1: {  	[sflag:s0] =	ssyncadd.remote.s32 $0x1  }
0xc2: {  	_ =	sfence.sel $0xFFFF  }
0xc3: {  	[dreg:$0x0] =	wrdreg $0xFFFFFFFF;
	(pc) =	sbr.abs _section_cstart, $3  }
0xc4: {  	[dreg:$0x1] =	wrdreg $0xFFFFFFFF  }
0xc5: {  	_ =	task.clear_ibuf [dreg:s9], $0x2FFFF;
	_ =	strace $0x9FFFFFFF  }
0xc6: {  	(tm) =	ssettm $0x7FFFFFFF  }
0xc7: {  	_ =	shalt  }
tec
execute0_lowered:
.L_overlay_start_1:
0x0: {  	(tag) =	ssettag $0x1  }
0x1: {  	s6 =	rddreg [dreg:$0x0]  }
0x2: {  	s7 =	rddreg [dreg:$0x1]  }
0x3: {  	s5 =	rddreg [dreg:$0x2]  }
0x4: {  	s8 =	rddreg [dreg:$0x3]  }
0x5: {  	s0 =	rddreg [dreg:$0x4];
	s1 =	simm.s32 $0x0  }
0x6: {  	s4 =	srdreg.scid;
	s2 =	stileid.u32;
	s13 =	simm.s32 $0x800  }
0x7: {  	s14 =	simm.s32 $0x400;
	s15 =	simm.s32 $0x1400;
	s16 =	simm.s32 $0xC00  }
0x8: {  	s17 =	simm.s32 $0x1C00;
	s18 =	simm.s32 $0x2;
	s19 =	simm.s32 $0x2600  }
0x9: {  	s20 =	simm.s32 $0x3;
	s21 =	simm.s32 $0x0;
	[smem:$0x7FF] =	sst s1  }
0xa: {  	s3 =	sadd.s32 $0xE00, s5;
	s4 =	sand.u32 $0x1, s4;
	s10 =	sshll.u32 s2, $0x7  }
0xb: {  	_ =	strace $0x80000047;
	s9 =	ssub.s32 $0x2, s4;
	s11 =	sshll.u32 s4, $0x6  }
0xc: {  	s4 =	sadd.s32 $0x7B000, s5;
	s5 =	sadd.s32 $0xF5200, s5;
	s12 =	sshrl.u32 s9, $0x1  }
0xd: {  	s10 =	sor.u32 s11, s10;
	s11 =	simm.s32 $0x2400;
	s9 =	ssub.s32 s9, s12  }
0xe: {  	s6 =	sadd.s32 s6, s10;
	s7 =	sadd.s32 s7, s10;
	s8 =	sadd.s32 s8, s10  }
0xf: {  	s10 =	simm.s32 $0x200;
	s12 =	simm.s32 $0x1;
	s9 =	smax.u32 s9, $0x1  }
.LBB2_1:
0x10: {  	[tilespmem:s1], [sflag:$0x1] =	stream.linear.gather [hbm4b:s6+s1], $0x200, $0x38;
	[tilespmem:$0x2800] =	vst v63  }
0x11: {  	_ = 	snop  }
0x12: {  	[tilespmem:s10], [sflag:$0x1] =	stream.linear.gather [hbm4b:s7+s1], $0x200, $0x38;
	[tilespmem:$0x2800] =	vst v63  }
0x13: {  	_ = 	snop  }
0x14: {  	[tilespmem:s11], [sflag:$0x1] =	stream.linear.gather [hbm4b:s5+s1], $0x200, $0x38;
	[tilespmem:$0x2800] =	vst v63  }
0x15: {  	_ =	swait.ge [sflag:s12], $0x200  }
0x16: {  	[sflag:s12] =	ssyncset.done $0x0  }
0x17: {  	[sflag:s12] =	ssyncadd.s32 $0xFFFFFE00  }
0x18: {  	_ =	swait.ge [sflag:s12], $0x200  }
0x19: {  	[sflag:s12] =	ssyncset.done $0x0  }
0x1a: {  	s22 =	simm.s32 $0x10;
	[sflag:s12] =	ssyncadd.s32 $0xFFFFFE00  }
0x1b: {  	v0 =	vld [tilespmem:s22+$0xFFFFFFF0];
	_ =	sdelay $0x4  }
0x1c: {  	v1 =	vshll.u32 v0, $0x2  }
0x1d: {  	v2 =	vand.u32 $0x7F, v0;
	v1 =	vand.u32 $0xFFFFFE00, v1  }
0x1e: {  	vm0 =	vlt.s32 v0, $0xF4200;
	v0 =	vor.u32 v2, v1  }
0x1f: {  	v0 =	vnsel vm0, $0x0, v0  }
0x20: {  	[tilespmem:s13+$0xFFFFFC00] =	vst v0;
	v1 =	vor.u32 $0x180, v0  }
0x21: {  	v2 =	vor.u32 $0x80, v0;
	[tilespmem:s13+$0x200] =	vst v1  }
0x22: {  	v0 =	vor.u32 $0x100, v0;
	[tilespmem:s13+$0xFFFFFE00] =	vst v2  }
0x23: {  	s25 =	simm.s32 $0x210;
	[tilespmem:s13+$0x0] =	vst v0  }
0x24: {  	v0 =	vld [tilespmem:s25+$0xFFFFFFF0];
	_ =	sdelay $0x4  }
0x25: {  	v1 =	vshll.u32 v0, $0x2  }
0x26: {  	v2 =	vand.u32 $0x7F, v0;
	v1 =	vand.u32 $0xFFFFFE00, v1  }
0x27: {  	vm14 =	vlt.s32 v0, $0xF4200;
	v0 =	vor.u32 v2, v1  }
0x28: {  	s23 =	simm.s32 $0x1000;
	v0 =	vnsel vm14, $0x0, v0  }
0x29: {  	[tilespmem:s23+$0xFFFFFC00] =	vst v0;
	v1 =	vor.u32 $0x80, v0  }
0x2a: {  	v2 =	vor.u32 $0x100, v0;
	[tilespmem:s23+$0xFFFFFE00] =	vst v1  }
0x2b: {  	v0 =	vor.u32 $0x180, v0;
	[tilespmem:s23+$0x0] =	vst v2  }
0x2c: {  	[tilespmem:s23+$0x200] =	vst v0  }
0x2d: {  	v0 =	vld [tilespmem:s22+$0x0];
	_ =	sdelay $0x4  }
0x2e: {  	v1 =	vshll.u32 v0, $0x2  }
0x2f: {  	v2 =	vand.u32 $0x7F, v0;
	v1 =	vand.u32 $0xFFFFFE00, v1  }
0x30: {  	vm15 =	vlt.s32 v0, $0xF4200;
	v0 =	vor.u32 v2, v1  }
0x31: {  	v0 =	vnsel vm15, $0x0, v0  }
0x32: {  	[tilespmem:s13+$0xFFFFFC10] =	vst v0;
	v1 =	vor.u32 $0x180, v0  }
0x33: {  	v2 =	vor.u32 $0x80, v0;
	[tilespmem:s13+$0x210] =	vst v1  }
0x34: {  	v0 =	vor.u32 $0x100, v0;
	[tilespmem:s13+$0xFFFFFE10] =	vst v2  }
0x35: {  	[tilespmem:s13+$0x10] =	vst v0  }
0x36: {  	v0 =	vld [tilespmem:s25+$0x0];
	_ =	sdelay $0x1  }
0x37: {  	s24 =	simm.s32 $0x0  }
0x38: {  	s26 =	simm.s32 $0x1020;
	s28 =	simm.s32 $0x800;
	s25 =	simm.s32 $0x230  }
.LBB2_2:
0x39: {  	s24 =	sadd.s32 $0x2, s24;
	s22 =	sadd.s32 $0x20, s22;
	s28 =	sadd.s32 $0x20, s28  }
0x3a: {  	p0 =	slt.u32 s24, $0x1E;
	v1 =	vshll.u32 v0, $0x2  }
0x3b: {  	v2 =	vand.u32 $0x7F, v0;
	v1 =	vand.u32 $0xFFFFFE00, v1  }
0x3c: {  	vm0 =	vlt.s32 v0, $0xF4200;
	v0 =	vor.u32 v2, v1  }
0x3d: {  	v0 =	vnsel vm0, $0x0, v0  }
0x3e: {  	[tilespmem:s23+$0xFFFFFC10] =	vst v0;
	v1 =	vor.u32 $0x80, v0;
	v2 =	vor.u32 $0x100, v0;
	v0 =	vor.u32 $0x180, v0  }
0x3f: {  	[tilespmem:s23+$0xFFFFFE10] =	vst v1  }
0x40: {  	[tilespmem:s23+$0x210] =	vst v0  }
0x41: {  	[tilespmem:s23+$0x10] =	vst v2;
	s23 =	smov.u32 s26  }
0x42: {  	v0 =	vld [tilespmem:s22+$0xFFFFFFF0];
	_ =	sdelay $0x4  }
0x43: {  	v1 =	vshll.u32 v0, $0x2  }
0x44: {  	v2 =	vand.u32 $0x7F, v0;
	v1 =	vand.u32 $0xFFFFFE00, v1  }
0x45: {  	vm0 =	vlt.s32 v0, $0xF4200;
	v0 =	vor.u32 v2, v1  }
0x46: {  	v0 =	vnsel vm0, $0x0, v0  }
0x47: {  	[tilespmem:s28+$0xFFFFFC00] =	vst v0;
	v1 =	vor.u32 $0x80, v0;
	v2 =	vor.u32 $0x100, v0;
	v0 =	vor.u32 $0x180, v0  }
0x48: {  	[tilespmem:s28+$0x200] =	vst v0  }
0x49: {  	[tilespmem:s28+$0xFFFFFE00] =	vst v1  }
0x4a: {  	[tilespmem:s28+$0x0] =	vst v2  }
0x4b: {  	v0 =	vld [tilespmem:s25+$0xFFFFFFF0];
	_ =	sdelay $0x4  }
0x4c: {  	v1 =	vshll.u32 v0, $0x2  }
0x4d: {  	v2 =	vand.u32 $0x7F, v0;
	v1 =	vand.u32 $0xFFFFFE00, v1  }
0x4e: {  	vm0 =	vlt.s32 v0, $0xF4200;
	v0 =	vor.u32 v2, v1  }
0x4f: {  	v0 =	vnsel vm0, $0x0, v0  }
0x50: {  	[tilespmem:s26+$0xFFFFFC00] =	vst v0;
	v1 =	vor.u32 $0x80, v0;
	v2 =	vor.u32 $0x100, v0;
	v0 =	vor.u32 $0x180, v0  }
0x51: {  	[tilespmem:s26+$0xFFFFFE00] =	vst v1  }
0x52: {  	[tilespmem:s26+$0x0] =	vst v2  }
0x53: {  	[tilespmem:s26+$0x200] =	vst v0  }
0x54: {  	v0 =	vld [tilespmem:s22+$0x0];
	_ =	sdelay $0x4  }
0x55: {  	v1 =	vshll.u32 v0, $0x2  }
0x56: {  	v2 =	vand.u32 $0x7F, v0;
	v1 =	vand.u32 $0xFFFFFE00, v1  }
0x57: {  	vm0 =	vlt.s32 v0, $0xF4200;
	v0 =	vor.u32 v2, v1  }
0x58: {  	v0 =	vnsel vm0, $0x0, v0  }
0x59: {  	[tilespmem:s28+$0xFFFFFC10] =	vst v0;
	v1 =	vor.u32 $0x80, v0;
	v2 =	vor.u32 $0x100, v0;
	v0 =	vor.u32 $0x180, v0  }
0x5a: {  	[tilespmem:s28+$0x210] =	vst v0  }
0x5b: {  	[tilespmem:s28+$0xFFFFFE10] =	vst v1  }
.Ltmp0:
0x5c: {  	[tilespmem:s28+$0x10] =	vst v2;
	(pc) =	sbr.rel @p0 .LBB2_2-.Ltmp0, $2  }
0x5d: {  	v0 =	vld [tilespmem:s25+$0x0];
	_ =	sdelay $0x2  }
0x5e: {  	s26 =	sadd.s32 $0x20, s26;
	s25 =	sadd.s32 $0x20, s25  }
0x5f: {  	_ = 	snop  }
0x60: {  	v1 =	vshll.u32 v0, $0x2  }
0x61: {  	v2 =	vand.u32 $0x7F, v0;
	v1 =	vand.u32 $0xFFFFFE00, v1  }
0x62: {  	vm0 =	vlt.s32 v0, $0xF4200;
	v61 =	vor.u32 v2, v1  }
0x63: {  	v0 =	vnsel vm0, $0x0, v61  }
0x64: {  	[tilespmem:s23+$0xFFFFFC10] =	vst v0;
	v62 =	vor.u32 $0x80, v0  }
0x65: {  	v63 =	vor.u32 $0x180, v0;
	[tilespmem:s23+$0xFFFFFE10] =	vst v62  }
0x66: {  	v0 =	vor.u32 $0x100, v0;
	[tilespmem:s23+$0x210] =	vst v63  }
0x67: {  	[tilespmem:s23+$0x10] =	vst v0  }
0x68: {  	[tilespmem:s15], [sflag:$0x2] =	stream.indirect.gather [hbm4b:s3+s13], $0x1, s14, s13, $0xb8;
	[tilespmem:$0x2800] =	vst v63  }
0x69: {  	_ = 	snop  }
0x6a: {  	[tilespmem:s17], [sflag:$0x2] =	stream.indirect.gather [hbm4b:s4+s13], $0x1, s16, s13, $0xb8;
	[tilespmem:$0x2800] =	vst v63  }
0x6b: {  	_ =	swait.ge [sflag:s12], $0x200  }
0x6c: {  	[sflag:s12] =	ssyncset.done $0x0  }
0x6d: {  	[sflag:s12] =	ssyncadd.s32 $0xFFFFFE00  }
0x6e: {  	_ =	swait.ge [sflag:s18], $0x800  }
0x6f: {  	[sflag:s18] =	ssyncset.done $0x0  }
0x70: {  	[sflag:s18] =	ssyncadd.s32 $0xFFFFF800  }
0x71: {  	s22 =	simm.s32 $0xFFFFFFFE;
	s24 =	simm.s32 $0x210;
	_ =	swait.ge [sflag:s18], $0x800  }
0x72: {  	s25 =	simm.s32 $0x1800;
	s26 =	simm.s32 $0x2000;
	[sflag:s18] =	ssyncset.done $0x0  }
0x73: {  	s28 =	simm.s32 $0x2610;
	s23 =	simm.s32 $0x10;
	[sflag:s18] =	ssyncadd.s32 $0xFFFFF800  }
.LBB2_4:
0x74: {  	v0 =	vld [tilespmem:s23+$0xFFFFFFF0]  }
0x75: {  	v1 =	vld [tilespmem:s24+$0xFFFFFFF0];
	_ =	sdelay $0x2  }
0x76: {  	v34 =	vld [tilespmem:s25+$0xFFFFFC00]  }
0x77: {  	v5 =	vld [tilespmem:s26+$0xFFFFFC00];
	v2 =	vshll.u32 v0, $0x2  }
0x78: {  	v8 =	vld [tilespmem:s25+$0xFFFFFE00];
	vm0 =	vlt.s32 v0, $0xF4200;
	v32 =	vshll.u32 v1, $0x2;
	v31 =	vadd.s32 $0xFFC2F800, v2  }
0x79: {  	v10 =	vld [tilespmem:s26+$0xFFFFFE00];
	vm1 =	vlt.s32 v1, $0xF4200;
	v33 =	vadd.s32 $0xFFC2F900, v32;
	v0 =	vsel vm0, $0x0, v31  }
0x7a: {  	v12 =	vld [tilespmem:s25+$0x0];
	v1 =	vsel vm1, $0x100, v33  }
0x7b: {  	v13 =	vld [tilespmem:s26+$0x0];
	v3 =	vor.u32 $0x1, v0  }
0x7c: {  	v14 =	vld [tilespmem:s25+$0x200];
	v6 =	vor.u32 $0x1, v1  }
0x7d: {  	v15 =	vld [tilespmem:s26+$0x200];
	v9 =	vor.u32 $0x2, v0  }
0x7e: {  	v11 =	vor.u32 $0x2, v1;
	v4 =	vld.idx.msk [tilespmem:v0+s11+$0x0], $0xffff  }
0x7f: {  	v7 =	vld.idx.msk [tilespmem:v1+s11+$0x0], $0xffff;
	v0 =	vor.u32 $0x3, v0  }
0x80: {  	v1 =	vor.u32 $0x3, v1;
	v3 =	vld.idx.msk [tilespmem:v3+s11+$0x0], $0xffff  }
0x81: {  	v6 =	vld.idx.msk [tilespmem:v6+s11+$0x0], $0xffff  }
0x82: {  	v9 =	vld.idx.msk [tilespmem:v9+s11+$0x0], $0xffff  }
0x83: {  	v11 =	vld.idx.msk [tilespmem:v11+s11+$0x0], $0xffff  }
0x84: {  	v0 =	vld.idx.msk [tilespmem:v0+s11+$0x0], $0xffff  }
0x85: {  	v2 =	vsel vm0, v34, v4;
	v1 =	vld.idx.msk [tilespmem:v1+s11+$0x0], $0xffff  }
0x86: {  	v35 =	vsel vm1, v5, v7;
	v3 =	vsel vm0, v8, v3;
	v36 =	vsel vm1, v10, v6  }
0x87: {  	v2 =	vmul.f32 v35, v2;
	v3 =	vmul.f32 v36, v3  }
0x88: {  	v37 =	vsel vm0, v12, v9;
	v38 =	vsel vm1, v13, v11  }
0x89: {  	v39 =	vmul.f32 v38, v37;
	v2 =	vadd.f32 v3, v2  }
0x8a: {  	v0 =	vsel vm0, v14, v0;
	v1 =	vsel vm1, v15, v1  }
0x8b: {  	v2 =	vadd.f32 v39, v2;
	v0 =	vmul.f32 v1, v0;
	_ =	sdelay $0x1  }
0x8c: {  	v0 =	vadd.f32 v0, v2;
	_ =	sdelay $0x1  }
0x8d: {  	[tilespmem:s28+$0xFFFFFFF0] =	vst v0  }
0x8e: {  	v0 =	vld [tilespmem:s23+$0x0]  }
0x8f: {  	v40 =	vld [tilespmem:s24+$0x0];
	_ =	sdelay $0x2  }
0x90: {  	v45 =	vld [tilespmem:s25+$0xFFFFFC10]  }
0x91: {  	v48 =	vld [tilespmem:s26+$0xFFFFFC10];
	v41 =	vshll.u32 v0, $0x2  }
0x92: {  	v51 =	vld [tilespmem:s25+$0xFFFFFE10];
	vm14 =	vlt.s32 v0, $0xF4200;
	v43 =	vshll.u32 v40, $0x2;
	v42 =	vadd.s32 $0xFFC2F800, v41  }
0x93: {  	v53 =	vld [tilespmem:s26+$0xFFFFFE10];
	vm15 =	vlt.s32 v40, $0xF4200;
	v44 =	vadd.s32 $0xFFC2F900, v43;
	v0 =	vsel vm14, $0x0, v42  }
0x94: {  	v55 =	vld [tilespmem:s25+$0x10];
	v1 =	vsel vm15, $0x100, v44  }
0x95: {  	v56 =	vld [tilespmem:s26+$0x10];
	v46 =	vor.u32 $0x1, v0  }
0x96: {  	v57 =	vld [tilespmem:s25+$0x210];
	v49 =	vor.u32 $0x1, v1  }
0x97: {  	v58 =	vld [tilespmem:s26+$0x210];
	v52 =	vor.u32 $0x2, v0  }
0x98: {  	v54 =	vor.u32 $0x2, v1;
	v47 =	vld.idx.msk [tilespmem:v0+s11+$0x0], $0xffff  }
0x99: {  	v50 =	vld.idx.msk [tilespmem:v1+s11+$0x0], $0xffff;
	v0 =	vor.u32 $0x3, v0  }
0x9a: {  	v1 =	vor.u32 $0x3, v1;
	v3 =	vld.idx.msk [tilespmem:v46+s11+$0x0], $0xffff  }
0x9b: {  	v6 =	vld.idx.msk [tilespmem:v49+s11+$0x0], $0xffff  }
0x9c: {  	v9 =	vld.idx.msk [tilespmem:v52+s11+$0x0], $0xffff  }
0x9d: {  	v11 =	vld.idx.msk [tilespmem:v54+s11+$0x0], $0xffff  }
0x9e: {  	v0 =	vld.idx.msk [tilespmem:v0+s11+$0x0], $0xffff  }
0x9f: {  	v2 =	vsel vm14, v45, v47;
	v1 =	vld.idx.msk [tilespmem:v1+s11+$0x0], $0xffff  }
0xa0: {  	v59 =	vsel vm15, v48, v50;
	v3 =	vsel vm14, v51, v3;
	v60 =	vsel vm15, v53, v6  }
0xa1: {  	v2 =	vmul.f32 v59, v2;
	v3 =	vmul.f32 v60, v3  }
0xa2: {  	v61 =	vsel vm14, v55, v9;
	v62 =	vsel vm15, v56, v11  }
0xa3: {  	s22 =	sadd.s32 $0x2, s22;
	v63 =	vmul.f32 v62, v61;
	v2 =	vadd.f32 v3, v2  }
0xa4: {  	p0 =	slt.u32 s22, $0x1E;
	v0 =	vsel vm14, v57, v0;
	v1 =	vsel vm15, v58, v1  }
.Ltmp1:
0xa5: {  	v2 =	vadd.f32 v63, v2;
	v0 =	vmul.f32 v1, v0;
	(pc) =	sbr.rel @p0 .LBB2_4-.Ltmp1, $4  }
0xa6: {  	_ = 	snop  }
0xa7: {  	v0 =	vadd.f32 v0, v2  }
0xa8: {  	s23 =	sadd.s32 $0x20, s23;
	s24 =	sadd.s32 $0x20, s24  }
0xa9: {  	s25 =	sadd.s32 $0x20, s25;
	s26 =	sadd.s32 $0x20, s26;
	[tilespmem:s28+$0x0] =	vst v0;
	s28 =	sadd.s32 $0x20, s28  }
0xaa: {  	s21 =	sadd.s32 $0x1, s21  }
0xab: {  	p0 =	sne.s32 s21, s9  }
.Ltmp2:
0xac: {  	_ = 	snop;
	(pc) =	sbr.rel @p0 .LBB2_1-.Ltmp2, $4  }
0xad: {  	[hbm4b:s8+s1] =	stream.linear.scatter [tilespmem:s19], [sflag:$0x3], $0x200, $0x38;
	[tilespmem:$0x2800] =	vst v63  }
0xae: {  	_ =	swait.ge [sflag:s20], $0x200  }
0xaf: {  	[sflag:s20] =	ssyncset.done $0x0  }
0xb0: {  	[sflag:s20] =	ssyncadd.s32 $0xFFFFFE00  }
0xb1: {  	_ =	sfence.sel $0x180000  }
0xb2: {  	[bflag:$0x0] =	sbarrier.arrive $0xFFFF  }
0xb3: {  	p0 =	sne.s32 s2, $0x0;
	_ =	strace $0x90000047  }
0xb4: {  	s0 =	sadd.s32 @!p0 $0x100000, s0;
	[bflag:$0x2] =	sbarrier.arrive $0xFFFF  }
0xb5: {  	[sflag:s0] =	ssyncadd.tile.s32 @!p0 $0x1;
	_ =	shalt  }
.Lfunc_end2:
_tile_overlayer_lowered:
.L_overlay_start_2:
0xb6: {  	(tag) =	ssettag $0x2  }
0xb7: {  	s0 =	rddreg [dreg:$0x0];
	s2 =	stileid.u32  }
0xb8: {  	s1 =	rddreg [dreg:$0x1];
	p0 =	sne.s32 s2, $0x0  }
0xb9: {  	s3 =	rddreg [dreg:$0x2];
	[bflag:$0x3] =	sbarrier.arrive $0xFFFF;
	s2 =	simm.s32 @!p0 $0x1C03  }
0xba: {  	[timem:s3], [sflag:s2] =	dma.local @!p0 [hbm:s0], s1  }
0xbb: {  	s0 =	simm.s32 @!p0 $0x3  }
0xbc: {  	_ =	swait.ge @!p0 [sflag:s0], s1  }
0xbd: {  	s1 =	ssub.s32 @!p0 $0x0, s1;
	[sflag:s0] =	ssyncset.done @!p0 $0x0  }
0xbe: {  	[sflag:s0] =	ssyncadd.s32 @!p0 s1  }
0xbf: {  	[bflag:$0x3] =	sbarrier.arrive $0xFFFF  }
0xc0: {  	_ =	shalt  }

</sc_bundles>
